<compile_context>
chip_gen: v7x
topology: tpu7x:2x2x1
jax: 0.10.2.dev20260603
libtpu: 0.0.44.dev20260713+nightly
codegen_flags: <defaults>
</compile_context>

<pallas_src>
import functools

import jax
import jax.numpy as jnp
from jax import lax
from jax.experimental import pallas as pl
from jax.experimental.pallas import tpu as pltpu
from jax.experimental.pallas import tpu_sc as plsc

_NUM_DIM = 64
_L = 16
_NCHUNK = _NUM_DIM // _L
_BLK = 128

_GATHER_DNUMS = lax.GatherDimensionNumbers(
    offset_dims=(), collapsed_slice_dims=(0,), start_index_map=(0,))


def _rotate(v, s):
    idx = lax.bitwise_and(lax.iota(jnp.int32, _L) + s, _L - 1)
    return lax.gather(v, idx[:, None], dimension_numbers=_GATHER_DNUMS,
                      slice_sizes=(1,),
                      mode=lax.GatherScatterMode.PROMISE_IN_BOUNDS)


def _all_lanes_sum(v):
    for s in (8, 4, 2, 1):
        v = v + _rotate(v, s)
    return v


def _lane_bcast(v, lane):
    idx = jnp.full((_L, 1), lane, jnp.int32)
    return lax.gather(v, idx, dimension_numbers=_GATHER_DNUMS,
                      slice_sizes=(1,),
                      mode=lax.GatherScatterMode.PROMISE_IN_BOUNDS)


def _column(buf_v, col):
    cols = jnp.full((_L,), col, jnp.int32)
    out = []
    for k in range(_NCHUNK):
        rows = lax.iota(jnp.int32, _L) + (k * _L)
        out.append(plsc.load_gather(buf_v, [rows, cols]))
    return out


def _sc_body(x_hbm, y_hbm, r_hbm, ent_Wt_hbm, ent_bt_hbm, rel_Wt_hbm,
             rel_bt_hbm,
             out_hbm,
             idx_v, xw_v, xb_v, yw_v, yb_v, rw_v, rb_v, b2_v, out_v, sem):
    tile0 = (lax.axis_index("c") == 0) & (lax.axis_index("s") == 0)

    @pl.when(tile0)
    def _():
        icp = [
            pltpu.async_copy(x_hbm, idx_v.at[pl.ds(0, 1)], sem),
            pltpu.async_copy(y_hbm, idx_v.at[pl.ds(8, 1)], sem),
            pltpu.async_copy(r_hbm, idx_v.at[pl.ds(16, 1)], sem),
        ]
        for cp in icp:
            cp.wait()
        v0 = idx_v[pl.ds(0, _L)]
        v1 = idx_v[pl.ds(_L, _L)]
        x_i = v0[0]
        y_i = v0[8]
        r_i = v1[0]
        x0 = pl.multiple_of(lax.bitwise_and(x_i, -_BLK), _BLK)
        y0 = pl.multiple_of(lax.bitwise_and(y_i, -_BLK), _BLK)
        r0 = pl.multiple_of(lax.bitwise_and(r_i, -_BLK), _BLK)
        cps = [
            pltpu.async_copy(ent_Wt_hbm.at[:, pl.ds(x0, _BLK)], xw_v, sem),
            pltpu.async_copy(ent_bt_hbm.at[:, pl.ds(x0, _BLK)], xb_v, sem),
            pltpu.async_copy(ent_Wt_hbm.at[:, pl.ds(y0, _BLK)], yw_v, sem),
            pltpu.async_copy(ent_bt_hbm.at[:, pl.ds(y0, _BLK)], yb_v, sem),
            pltpu.async_copy(rel_Wt_hbm.at[:, pl.ds(r0, _BLK)], rw_v, sem),
            pltpu.async_copy(rel_bt_hbm.at[:, pl.ds(r0, _BLK)], rb_v, sem),
        ]
        for cp in cps:
            cp.wait()

        xc = lax.bitwise_and(x_i, _BLK - 1)
        yc = lax.bitwise_and(y_i, _BLK - 1)
        rc = lax.bitwise_and(r_i, _BLK - 1)
        xw = _column(xw_v, xc)
        xb = _column(xb_v, xc)
        yw = _column(yw_v, yc)
        yb = _column(yb_v, yc)
        rw = _column(rw_v, rc)
        rb = _column(rb_v, rc)
        a = [xw[k] + xb[k] for k in range(_NCHUNK)]
        b = [yw[k] + yb[k] for k in range(_NCHUNK)]
        rv = [rw[k] + rb[k] for k in range(_NCHUNK)]

        for k in range(_NCHUNK):
            b2_v[pl.ds(k * _L, _L)] = b[k]
            b2_v[pl.ds(_NUM_DIM + k * _L, _L)] = b[k]

        c = [jnp.zeros((_L,), jnp.float32) for _ in range(_NCHUNK)]
        for mk in range(_NCHUNK):
            rr_chunk = lax.rev(rv[_NCHUNK - 1 - mk], (0,))
            for lane in range(_L):
                m = mk * _L + lane
                w = _lane_bcast(rr_chunk, lane)
                for k in range(_NCHUNK):
                    c[k] = c[k] + w * b2_v[pl.ds(m + 1 + k * _L, _L)]

        d = a[0] * c[0]
        for k in range(1, _NCHUNK):
            d = d + a[k] * c[k]
        zv = _all_lanes_sum(d) * (1.0 / _NUM_DIM)
        out_v[...] = 1.0 / (1.0 + jnp.exp(-zv))
        pltpu.sync_copy(out_v, out_hbm)


@jax.jit
def _hole_score(x1, y1, r1, ent_Wt, ent_bt, rel_Wt, rel_bt):
    mesh = plsc.VectorSubcoreMesh(core_axis_name="c", subcore_axis_name="s",
                                  num_cores=1, num_subcores=1)
    run = functools.partial(
        pl.kernel,
        out_type=jax.ShapeDtypeStruct((_L,), jnp.float32),
        mesh=mesh,
        compiler_params=pltpu.CompilerParams(needs_layout_passes=False),
        scratch_types=[
            pltpu.VMEM((2 * _L,), jnp.int32),
            pltpu.VMEM((_NUM_DIM, _BLK), jnp.float32),
            pltpu.VMEM((_NUM_DIM, _BLK), jnp.float32),
            pltpu.VMEM((_NUM_DIM, _BLK), jnp.float32),
            pltpu.VMEM((_NUM_DIM, _BLK), jnp.float32),
            pltpu.VMEM((_NUM_DIM, _BLK), jnp.float32),
            pltpu.VMEM((_NUM_DIM, _BLK), jnp.float32),
            pltpu.VMEM((2 * _NUM_DIM,), jnp.float32),
            pltpu.VMEM((_L,), jnp.float32),
            pltpu.SemaphoreType.DMA,
        ],
    )(_sc_body)
    return run(x1, y1, r1, ent_Wt, ent_bt, rel_Wt, rel_bt)


def kernel(x, y, r, ent_W, ent_b, rel_W, rel_b):
    x1 = jnp.asarray(x, jnp.int32).reshape(1)
    y1 = jnp.asarray(y, jnp.int32).reshape(1)
    r1 = jnp.asarray(r, jnp.int32).reshape(1)
    out = _hole_score(x1, y1, r1, ent_W.T, ent_b.T, rel_W.T, rel_b.T)
    return out[0]

# --- scband reference (transcript-rebuilt; emitter-appended) ---
"""Pipeline reference for scband-hole-33681133535341 (READ-ONLY COPY).

The authoritative reference and input builder live on the scoring server;
editing this copy changes nothing except your own understanding.
"""

import jax, jax.numpy as jnp
import numpy as np

NUM_DIM = 64
NUM_ENTITIES = 100000
NUM_RELATIONS = 1000


def setup_inputs(seed: int = 0) -> dict:
    key = jax.random.key(seed)
    k1, k2, k3, k4 = jax.random.split(key, 4)
    # Each entity/relation i has a Linear(1, num_dim): emb_i = W_i * 1 + b_i.
    # Materialize all per-index Linear params as row-tables.
    ent_W = jax.random.normal(k1, (NUM_ENTITIES, NUM_DIM), dtype=jnp.float32) * 0.02
    ent_b = jax.random.normal(k2, (NUM_ENTITIES, NUM_DIM), dtype=jnp.float32) * 0.02
    rel_W = jax.random.normal(k3, (NUM_RELATIONS, NUM_DIM), dtype=jnp.float32) * 0.02
    rel_b = jax.random.normal(k4, (NUM_RELATIONS, NUM_DIM), dtype=jnp.float32) * 0.02
    return {
        "x": 12345,
        "y": 6789,
        "r": 321,
        "ent_W": ent_W,
        "ent_b": ent_b,
        "rel_W": rel_W,
        "rel_b": rel_b,
    }


def _circular_correlation(a, b):
    # a, b: [1, NUM_DIM]. Faithful to the torch loop:
    #   result[0][i] = mean(a * roll(b, i, axis=1))
    vals = jnp.stack([jnp.mean(a * jnp.roll(b, i, axis=1)) for i in range(NUM_DIM)])
    return vals.reshape(1, NUM_DIM)


def reference(x, y, r, ent_W, ent_b, rel_W, rel_b):
    # embedding_list_entity[x](ones(1,1)) == ent_W[x]*1 + ent_b[x]
    emb_x = (jnp.take(ent_W, x, axis=0) + jnp.take(ent_b, x, axis=0)).reshape(1, NUM_DIM)
    emb_y = (jnp.take(ent_W, y, axis=0) + jnp.take(ent_b, y, axis=0)).reshape(1, NUM_DIM)
    emb_r = (jnp.take(rel_W, r, axis=0) + jnp.take(rel_b, r, axis=0)).reshape(1, NUM_DIM)
    result_1 = _circular_correlation(emb_x, emb_y)
    result_2 = jnp.dot(emb_r.reshape(-1), result_1.reshape(-1))
    return jax.nn.sigmoid(result_2)

if __name__ == "__main__":
    import jax
    _d = setup_inputs()
    print(jax.jit(kernel)(*tuple(_d.values())))

</pallas_src>

<mosaic_0001>
#map = affine_map<(d0, d1) -> (0)>
#map1 = affine_map<(d0, d1) -> (0, 0)>
module attributes {stable_mosaic.version = 14 : i64} {
  func.func @_sc_body(%arg0: i32, %arg1: i32, %arg2: memref<1xi32, #tpu.memory_space<hbm>>, %arg3: memref<1xi32, #tpu.memory_space<hbm>>, %arg4: memref<1xi32, #tpu.memory_space<hbm>>, %arg5: memref<64x100000xf32, #tpu.memory_space<hbm>>, %arg6: memref<64x100000xf32, #tpu.memory_space<hbm>>, %arg7: memref<64x1000xf32, #tpu.memory_space<hbm>>, %arg8: memref<64x1000xf32, #tpu.memory_space<hbm>>, %arg9: memref<16xf32, #tpu.memory_space<hbm>>, %arg10: memref<32xi32, #tpu.memory_space<vmem>>, %arg11: memref<64x128xf32, #tpu.memory_space<vmem>>, %arg12: memref<64x128xf32, #tpu.memory_space<vmem>>, %arg13: memref<64x128xf32, #tpu.memory_space<vmem>>, %arg14: memref<64x128xf32, #tpu.memory_space<vmem>>, %arg15: memref<64x128xf32, #tpu.memory_space<vmem>>, %arg16: memref<64x128xf32, #tpu.memory_space<vmem>>, %arg17: memref<128xf32, #tpu.memory_space<vmem>>, %arg18: memref<16xf32, #tpu.memory_space<vmem>>, %arg19: memref<!tpu.dma_semaphore, #tpu.memory_space<semaphore_mem>>) attributes {dimension_semantics = [#tpu.dimension_semantics<core_parallel>, #tpu.dimension_semantics<subcore_parallel>], iteration_bounds = array<i64: 1, 1>, scalar_prefetch = 0 : i64, scratch_operands = 10 : i64, tpu.core_type = #tpu.core_type<sc_vector_subcore>, window_params = [{transform_indices = #map}, {transform_indices = #map}, {transform_indices = #map}, {transform_indices = #map1}, {transform_indices = #map1}, {transform_indices = #map1}, {transform_indices = #map1}, {transform_indices = #map}]} {
    %eq3A = arith.constant 0 : i32
    %eq3A_0 = arith.cmpi eq, %arg0, %eq3A : i32
    %eq3A_1 = arith.constant 0 : i32
    %eq3A_2 = arith.cmpi eq, %arg1, %eq3A_1 : i32
    %and3A = arith.andi %eq3A_0, %eq3A_2 : i1
    %convert_element_type3A = arith.extui %and3A : i1 to i32
    %cond3A = arith.constant 0 : i32
    %cond3A_3 = arith.cmpi ne, %convert_element_type3A, %cond3A : i32
    scf.if %cond3A_3 {
      %dma_start3A = arith.constant 0 : i32
      %dma_start3A_4 = tpu.memref_slice %arg10[%dma_start3A] : memref<32xi32, #tpu.memory_space<vmem>> -> memref<1xi32, #tpu.memory_space<vmem>>
      %dma_start3A_5 = arith.constant 0 : i32
      %dma_start3A_6 = tpu.memref_slice %arg10[%dma_start3A_5] : memref<32xi32, #tpu.memory_space<vmem>> -> memref<1xi32, #tpu.memory_space<vmem>>
      tpu.enqueue_dma source(%arg2 : memref<1xi32, #tpu.memory_space<hbm>>) target(%dma_start3A_6 : memref<1xi32, #tpu.memory_space<vmem>>) target_semaphore(%arg19 : memref<!tpu.dma_semaphore, #tpu.memory_space<semaphore_mem>>)
      %dma_start3A_7 = arith.constant 8 : i32
      %dma_start3A_8 = tpu.memref_slice %arg10[%dma_start3A_7] : memref<32xi32, #tpu.memory_space<vmem>> -> memref<1xi32, #tpu.memory_space<vmem>>
      %dma_start3A_9 = arith.constant 8 : i32
      %dma_start3A_10 = tpu.memref_slice %arg10[%dma_start3A_9] : memref<32xi32, #tpu.memory_space<vmem>> -> memref<1xi32, #tpu.memory_space<vmem>>
      tpu.enqueue_dma source(%arg3 : memref<1xi32, #tpu.memory_space<hbm>>) target(%dma_start3A_10 : memref<1xi32, #tpu.memory_space<vmem>>) target_semaphore(%arg19 : memref<!tpu.dma_semaphore, #tpu.memory_space<semaphore_mem>>)
      %dma_start3A_11 = arith.constant 16 : i32
      %dma_start3A_12 = tpu.memref_slice %arg10[%dma_start3A_11] : memref<32xi32, #tpu.memory_space<vmem>> -> memref<1xi32, #tpu.memory_space<vmem>>
      %dma_start3A_13 = arith.constant 16 : i32
      %dma_start3A_14 = tpu.memref_slice %arg10[%dma_start3A_13] : memref<32xi32, #tpu.memory_space<vmem>> -> memref<1xi32, #tpu.memory_space<vmem>>
      tpu.enqueue_dma source(%arg4 : memref<1xi32, #tpu.memory_space<hbm>>) target(%dma_start3A_14 : memref<1xi32, #tpu.memory_space<vmem>>) target_semaphore(%arg19 : memref<!tpu.dma_semaphore, #tpu.memory_space<semaphore_mem>>)
      %dma_wait3A = arith.constant 0 : i32
      %dma_wait3A_15 = tpu.memref_slice %arg10[%dma_wait3A] : memref<32xi32, #tpu.memory_space<vmem>> -> memref<1xi32, #tpu.memory_space<vmem>>
      %dma_wait3A_16 = arith.constant 0 : i32
      %dma_wait3A_17 = tpu.memref_slice %arg10[%dma_wait3A_16] : memref<32xi32, #tpu.memory_space<vmem>> -> memref<1xi32, #tpu.memory_space<vmem>>
      tpu.wait_dma2 semaphore(%arg19 : memref<!tpu.dma_semaphore, #tpu.memory_space<semaphore_mem>>) src(%arg2 : memref<1xi32, #tpu.memory_space<hbm>>) dst(%dma_wait3A_17 : memref<1xi32, #tpu.memory_space<vmem>>)
      %dma_wait3A_18 = arith.constant 8 : i32
      %dma_wait3A_19 = tpu.memref_slice %arg10[%dma_wait3A_18] : memref<32xi32, #tpu.memory_space<vmem>> -> memref<1xi32, #tpu.memory_space<vmem>>
      %dma_wait3A_20 = arith.constant 8 : i32
      %dma_wait3A_21 = tpu.memref_slice %arg10[%dma_wait3A_20] : memref<32xi32, #tpu.memory_space<vmem>> -> memref<1xi32, #tpu.memory_space<vmem>>
      tpu.wait_dma2 semaphore(%arg19 : memref<!tpu.dma_semaphore, #tpu.memory_space<semaphore_mem>>) src(%arg3 : memref<1xi32, #tpu.memory_space<hbm>>) dst(%dma_wait3A_21 : memref<1xi32, #tpu.memory_space<vmem>>)
      %dma_wait3A_22 = arith.constant 16 : i32
      %dma_wait3A_23 = tpu.memref_slice %arg10[%dma_wait3A_22] : memref<32xi32, #tpu.memory_space<vmem>> -> memref<1xi32, #tpu.memory_space<vmem>>
      %dma_wait3A_24 = arith.constant 16 : i32
      %dma_wait3A_25 = tpu.memref_slice %arg10[%dma_wait3A_24] : memref<32xi32, #tpu.memory_space<vmem>> -> memref<1xi32, #tpu.memory_space<vmem>>
      tpu.wait_dma2 semaphore(%arg19 : memref<!tpu.dma_semaphore, #tpu.memory_space<semaphore_mem>>) src(%arg4 : memref<1xi32, #tpu.memory_space<hbm>>) dst(%dma_wait3A_25 : memref<1xi32, #tpu.memory_space<vmem>>)
      %get3A = arith.constant 0 : index
      %get3A_26 = tpu.vector_load %arg10[%get3A] {strides = array<i32>} : memref<32xi32, #tpu.memory_space<vmem>>, vector<16xi32>,
      %get3A_27 = arith.constant 16 : index
      %get3A_28 = tpu.vector_load %arg10[%get3A_27] {strides = array<i32>} : memref<32xi32, #tpu.memory_space<vmem>>, vector<16xi32>,
      %slice3A = vector.extract_strided_slice %get3A_26 {offsets = [0], sizes = [1], strides = [1]} : vector<16xi32> to vector<1xi32>
      %squeeze3A = vector.extract %slice3A[0] : i32 from vector<1xi32>
      %slice3A_29 = vector.extract_strided_slice %get3A_26 {offsets = [8], sizes = [1], strides = [1]} : vector<16xi32> to vector<1xi32>
      %squeeze3A_30 = vector.extract %slice3A_29[0] : i32 from vector<1xi32>
      %slice3A_31 = vector.extract_strided_slice %get3A_28 {offsets = [0], sizes = [1], strides = [1]} : vector<16xi32> to vector<1xi32>
      %squeeze3A_32 = vector.extract %slice3A_31[0] : i32 from vector<1xi32>
      %and3A_33 = arith.constant -128 : i32
      %and3A_34 = arith.andi %squeeze3A, %and3A_33 : i32
      %multiple_of3A = tpu.assume_multiple %and3A_34, 128 : i32
      %and3A_35 = arith.constant -128 : i32
      %and3A_36 = arith.andi %squeeze3A_30, %and3A_35 : i32
      %multiple_of3A_37 = tpu.assume_multiple %and3A_36, 128 : i32
      %and3A_38 = arith.constant -128 : i32
      %and3A_39 = arith.andi %squeeze3A_32, %and3A_38 : i32
      %multiple_of3A_40 = tpu.assume_multiple %and3A_39, 128 : i32
      %dma_start3A_41 = arith.constant 0 : i32
      %dma_start3A_42 = tpu.memref_slice %arg5[%dma_start3A_41, %multiple_of3A] : memref<64x100000xf32, #tpu.memory_space<hbm>> -> memref<64x128xf32, #tpu.memory_space<hbm>>
      %dma_start3A_43 = arith.constant 0 : i32
      %dma_start3A_44 = tpu.memref_slice %arg5[%dma_start3A_43, %multiple_of3A] : memref<64x100000xf32, #tpu.memory_space<hbm>> -> memref<64x128xf32, #tpu.memory_space<hbm>>
      tpu.enqueue_dma source(%dma_start3A_44 : memref<64x128xf32, #tpu.memory_space<hbm>>) target(%arg11 : memref<64x128xf32, #tpu.memory_space<vmem>>) target_semaphore(%arg19 : memref<!tpu.dma_semaphore, #tpu.memory_space<semaphore_mem>>)
      %dma_start3A_45 = arith.constant 0 : i32
      %dma_start3A_46 = tpu.memref_slice %arg6[%dma_start3A_45, %multiple_of3A] : memref<64x100000xf32, #tpu.memory_space<hbm>> -> memref<64x128xf32, #tpu.memory_space<hbm>>
      %dma_start3A_47 = arith.constant 0 : i32
      %dma_start3A_48 = tpu.memref_slice %arg6[%dma_start3A_47, %multiple_of3A] : memref<64x100000xf32, #tpu.memory_space<hbm>> -> memref<64x128xf32, #tpu.memory_space<hbm>>
      tpu.enqueue_dma source(%dma_start3A_48 : memref<64x128xf32, #tpu.memory_space<hbm>>) target(%arg12 : memref<64x128xf32, #tpu.memory_space<vmem>>) target_semaphore(%arg19 : memref<!tpu.dma_semaphore, #tpu.memory_space<semaphore_mem>>)
      %dma_start3A_49 = arith.constant 0 : i32
      %dma_start3A_50 = tpu.memref_slice %arg5[%dma_start3A_49, %multiple_of3A_37] : memref<64x100000xf32, #tpu.memory_space<hbm>> -> memref<64x128xf32, #tpu.memory_space<hbm>>
      %dma_start3A_51 = arith.constant 0 : i32
      %dma_start3A_52 = tpu.memref_slice %arg5[%dma_start3A_51, %multiple_of3A_37] : memref<64x100000xf32, #tpu.memory_space<hbm>> -> memref<64x128xf32, #tpu.memory_space<hbm>>
      tpu.enqueue_dma source(%dma_start3A_52 : memref<64x128xf32, #tpu.memory_space<hbm>>) target(%arg13 : memref<64x128xf32, #tpu.memory_space<vmem>>) target_semaphore(%arg19 : memref<!tpu.dma_semaphore, #tpu.memory_space<semaphore_mem>>)
      %dma_start3A_53 = arith.constant 0 : i32
      %dma_start3A_54 = tpu.memref_slice %arg6[%dma_start3A_53, %multiple_of3A_37] : memref<64x100000xf32, #tpu.memory_space<hbm>> -> memref<64x128xf32, #tpu.memory_space<hbm>>
      %dma_start3A_55 = arith.constant 0 : i32
      %dma_start3A_56 = tpu.memref_slice %arg6[%dma_start3A_55, %multiple_of3A_37] : memref<64x100000xf32, #tpu.memory_space<hbm>> -> memref<64x128xf32, #tpu.memory_space<hbm>>
      tpu.enqueue_dma source(%dma_start3A_56 : memref<64x128xf32, #tpu.memory_space<hbm>>) target(%arg14 : memref<64x128xf32, #tpu.memory_space<vmem>>) target_semaphore(%arg19 : memref<!tpu.dma_semaphore, #tpu.memory_space<semaphore_mem>>)
      %dma_start3A_57 = arith.constant 0 : i32
      %dma_start3A_58 = tpu.memref_slice %arg7[%dma_start3A_57, %multiple_of3A_40] : memref<64x1000xf32, #tpu.memory_space<hbm>> -> memref<64x128xf32, #tpu.memory_space<hbm>>
      %dma_start3A_59 = arith.constant 0 : i32
      %dma_start3A_60 = tpu.memref_slice %arg7[%dma_start3A_59, %multiple_of3A_40] : memref<64x1000xf32, #tpu.memory_space<hbm>> -> memref<64x128xf32, #tpu.memory_space<hbm>>
      tpu.enqueue_dma source(%dma_start3A_60 : memref<64x128xf32, #tpu.memory_space<hbm>>) target(%arg15 : memref<64x128xf32, #tpu.memory_space<vmem>>) target_semaphore(%arg19 : memref<!tpu.dma_semaphore, #tpu.memory_space<semaphore_mem>>)
      %dma_start3A_61 = arith.constant 0 : i32
      %dma_start3A_62 = tpu.memref_slice %arg8[%dma_start3A_61, %multiple_of3A_40] : memref<64x1000xf32, #tpu.memory_space<hbm>> -> memref<64x128xf32, #tpu.memory_space<hbm>>
      %dma_start3A_63 = arith.constant 0 : i32
      %dma_start3A_64 = tpu.memref_slice %arg8[%dma_start3A_63, %multiple_of3A_40] : memref<64x1000xf32, #tpu.memory_space<hbm>> -> memref<64x128xf32, #tpu.memory_space<hbm>>
      tpu.enqueue_dma source(%dma_start3A_64 : memref<64x128xf32, #tpu.memory_space<hbm>>) target(%arg16 : memref<64x128xf32, #tpu.memory_space<vmem>>) target_semaphore(%arg19 : memref<!tpu.dma_semaphore, #tpu.memory_space<semaphore_mem>>)
      %dma_wait3A_65 = arith.constant 0 : i32
      %dma_wait3A_66 = tpu.memref_slice %arg5[%dma_wait3A_65, %multiple_of3A] : memref<64x100000xf32, #tpu.memory_space<hbm>> -> memref<64x128xf32, #tpu.memory_space<hbm>>
      %dma_wait3A_67 = arith.constant 0 : i32
      %dma_wait3A_68 = tpu.memref_slice %arg5[%dma_wait3A_67, %multiple_of3A] : memref<64x100000xf32, #tpu.memory_space<hbm>> -> memref<64x128xf32, #tpu.memory_space<hbm>>
      tpu.wait_dma2 semaphore(%arg19 : memref<!tpu.dma_semaphore, #tpu.memory_space<semaphore_mem>>) src(%dma_wait3A_68 : memref<64x128xf32, #tpu.memory_space<hbm>>) dst(%arg11 : memref<64x128xf32, #tpu.memory_space<vmem>>)
      %dma_wait3A_69 = arith.constant 0 : i32
      %dma_wait3A_70 = tpu.memref_slice %arg6[%dma_wait3A_69, %multiple_of3A] : memref<64x100000xf32, #tpu.memory_space<hbm>> -> memref<64x128xf32, #tpu.memory_space<hbm>>
      %dma_wait3A_71 = arith.constant 0 : i32
      %dma_wait3A_72 = tpu.memref_slice %arg6[%dma_wait3A_71, %multiple_of3A] : memref<64x100000xf32, #tpu.memory_space<hbm>> -> memref<64x128xf32, #tpu.memory_space<hbm>>
      tpu.wait_dma2 semaphore(%arg19 : memref<!tpu.dma_semaphore, #tpu.memory_space<semaphore_mem>>) src(%dma_wait3A_72 : memref<64x128xf32, #tpu.memory_space<hbm>>) dst(%arg12 : memref<64x128xf32, #tpu.memory_space<vmem>>)
      %dma_wait3A_73 = arith.constant 0 : i32
      %dma_wait3A_74 = tpu.memref_slice %arg5[%dma_wait3A_73, %multiple_of3A_37] : memref<64x100000xf32, #tpu.memory_space<hbm>> -> memref<64x128xf32, #tpu.memory_space<hbm>>
      %dma_wait3A_75 = arith.constant 0 : i32
      %dma_wait3A_76 = tpu.memref_slice %arg5[%dma_wait3A_75, %multiple_of3A_37] : memref<64x100000xf32, #tpu.memory_space<hbm>> -> memref<64x128xf32, #tpu.memory_space<hbm>>
      tpu.wait_dma2 semaphore(%arg19 : memref<!tpu.dma_semaphore, #tpu.memory_space<semaphore_mem>>) src(%dma_wait3A_76 : memref<64x128xf32, #tpu.memory_space<hbm>>) dst(%arg13 : memref<64x128xf32, #tpu.memory_space<vmem>>)
      %dma_wait3A_77 = arith.constant 0 : i32
      %dma_wait3A_78 = tpu.memref_slice %arg6[%dma_wait3A_77, %multiple_of3A_37] : memref<64x100000xf32, #tpu.memory_space<hbm>> -> memref<64x128xf32, #tpu.memory_space<hbm>>
      %dma_wait3A_79 = arith.constant 0 : i32
      %dma_wait3A_80 = tpu.memref_slice %arg6[%dma_wait3A_79, %multiple_of3A_37] : memref<64x100000xf32, #tpu.memory_space<hbm>> -> memref<64x128xf32, #tpu.memory_space<hbm>>
      tpu.wait_dma2 semaphore(%arg19 : memref<!tpu.dma_semaphore, #tpu.memory_space<semaphore_mem>>) src(%dma_wait3A_80 : memref<64x128xf32, #tpu.memory_space<hbm>>) dst(%arg14 : memref<64x128xf32, #tpu.memory_space<vmem>>)
      %dma_wait3A_81 = arith.constant 0 : i32
      %dma_wait3A_82 = tpu.memref_slice %arg7[%dma_wait3A_81, %multiple_of3A_40] : memref<64x1000xf32, #tpu.memory_space<hbm>> -> memref<64x128xf32, #tpu.memory_space<hbm>>
      %dma_wait3A_83 = arith.constant 0 : i32
      %dma_wait3A_84 = tpu.memref_slice %arg7[%dma_wait3A_83, %multiple_of3A_40] : memref<64x1000xf32, #tpu.memory_space<hbm>> -> memref<64x128xf32, #tpu.memory_space<hbm>>
      tpu.wait_dma2 semaphore(%arg19 : memref<!tpu.dma_semaphore, #tpu.memory_space<semaphore_mem>>) src(%dma_wait3A_84 : memref<64x128xf32, #tpu.memory_space<hbm>>) dst(%arg15 : memref<64x128xf32, #tpu.memory_space<vmem>>)
      %dma_wait3A_85 = arith.constant 0 : i32
      %dma_wait3A_86 = tpu.memref_slice %arg8[%dma_wait3A_85, %multiple_of3A_40] : memref<64x1000xf32, #tpu.memory_space<hbm>> -> memref<64x128xf32, #tpu.memory_space<hbm>>
      %dma_wait3A_87 = arith.constant 0 : i32
      %dma_wait3A_88 = tpu.memref_slice %arg8[%dma_wait3A_87, %multiple_of3A_40] : memref<64x1000xf32, #tpu.memory_space<hbm>> -> memref<64x128xf32, #tpu.memory_space<hbm>>
      tpu.wait_dma2 semaphore(%arg19 : memref<!tpu.dma_semaphore, #tpu.memory_space<semaphore_mem>>) src(%dma_wait3A_88 : memref<64x128xf32, #tpu.memory_space<hbm>>) dst(%arg16 : memref<64x128xf32, #tpu.memory_space<vmem>>)
      %and3A_89 = arith.constant 127 : i32
      %and3A_90 = arith.andi %squeeze3A, %and3A_89 : i32
      %and3A_91 = arith.constant 127 : i32
      %and3A_92 = arith.andi %squeeze3A_30, %and3A_91 : i32
      %and3A_93 = arith.constant 127 : i32
      %and3A_94 = arith.andi %squeeze3A_32, %and3A_93 : i32
      %broadcast_in_dim3A = vector.broadcast %and3A_90 : i32 to vector<16xi32>
      %iota3A = tpu.iota {dimensions = array<i32: 0>} : vector<16xi32>
      %add3A = arith.constant 0 : i32
      %add3A_95 = vector.broadcast %add3A : i32 to vector<16xi32>
      %add3A_96 = arith.addi %iota3A, %add3A_95 : vector<16xi32>
      %gather3A = tpu.vector_load_idx %arg11[%add3A_96, %broadcast_in_dim3A] : memref<64x128xf32, #tpu.memory_space<vmem>>[vector<16xi32>, vector<16xi32>], vector<16xf32>,
      %iota3A_97 = tpu.iota {dimensions = array<i32: 0>} : vector<16xi32>
      %add3A_98 = arith.constant 16 : i32
      %add3A_99 = vector.broadcast %add3A_98 : i32 to vector<16xi32>
      %add3A_100 = arith.addi %iota3A_97, %add3A_99 : vector<16xi32>
      %gather3A_101 = tpu.vector_load_idx %arg11[%add3A_100, %broadcast_in_dim3A] : memref<64x128xf32, #tpu.memory_space<vmem>>[vector<16xi32>, vector<16xi32>], vector<16xf32>,
      %iota3A_102 = tpu.iota {dimensions = array<i32: 0>} : vector<16xi32>
      %add3A_103 = arith.constant 32 : i32
      %add3A_104 = vector.broadcast %add3A_103 : i32 to vector<16xi32>
      %add3A_105 = arith.addi %iota3A_102, %add3A_104 : vector<16xi32>
      %gather3A_106 = tpu.vector_load_idx %arg11[%add3A_105, %broadcast_in_dim3A] : memref<64x128xf32, #tpu.memory_space<vmem>>[vector<16xi32>, vector<16xi32>], vector<16xf32>,
      %iota3A_107 = tpu.iota {dimensions = array<i32: 0>} : vector<16xi32>
      %add3A_108 = arith.constant 48 : i32
      %add3A_109 = vector.broadcast %add3A_108 : i32 to vector<16xi32>
      %add3A_110 = arith.addi %iota3A_107, %add3A_109 : vector<16xi32>
      %gather3A_111 = tpu.vector_load_idx %arg11[%add3A_110, %broadcast_in_dim3A] : memref<64x128xf32, #tpu.memory_space<vmem>>[vector<16xi32>, vector<16xi32>], vector<16xf32>,
      %broadcast_in_dim3A_112 = vector.broadcast %and3A_90 : i32 to vector<16xi32>
      %iota3A_113 = tpu.iota {dimensions = array<i32: 0>} : vector<16xi32>
      %add3A_114 = arith.constant 0 : i32
      %add3A_115 = vector.broadcast %add3A_114 : i32 to vector<16xi32>
      %add3A_116 = arith.addi %iota3A_113, %add3A_115 : vector<16xi32>
      %gather3A_117 = tpu.vector_load_idx %arg12[%add3A_116, %broadcast_in_dim3A_112] : memref<64x128xf32, #tpu.memory_space<vmem>>[vector<16xi32>, vector<16xi32>], vector<16xf32>,
      %iota3A_118 = tpu.iota {dimensions = array<i32: 0>} : vector<16xi32>
      %add3A_119 = arith.constant 16 : i32
      %add3A_120 = vector.broadcast %add3A_119 : i32 to vector<16xi32>
      %add3A_121 = arith.addi %iota3A_118, %add3A_120 : vector<16xi32>
      %gather3A_122 = tpu.vector_load_idx %arg12[%add3A_121, %broadcast_in_dim3A_112] : memref<64x128xf32, #tpu.memory_space<vmem>>[vector<16xi32>, vector<16xi32>], vector<16xf32>,
      %iota3A_123 = tpu.iota {dimensions = array<i32: 0>} : vector<16xi32>
      %add3A_124 = arith.constant 32 : i32
      %add3A_125 = vector.broadcast %add3A_124 : i32 to vector<16xi32>
      %add3A_126 = arith.addi %iota3A_123, %add3A_125 : vector<16xi32>
      %gather3A_127 = tpu.vector_load_idx %arg12[%add3A_126, %broadcast_in_dim3A_112] : memref<64x128xf32, #tpu.memory_space<vmem>>[vector<16xi32>, vector<16xi32>], vector<16xf32>,
      %iota3A_128 = tpu.iota {dimensions = array<i32: 0>} : vector<16xi32>
      %add3A_129 = arith.constant 48 : i32
      %add3A_130 = vector.broadcast %add3A_129 : i32 to vector<16xi32>
      %add3A_131 = arith.addi %iota3A_128, %add3A_130 : vector<16xi32>
      %gather3A_132 = tpu.vector_load_idx %arg12[%add3A_131, %broadcast_in_dim3A_112] : memref<64x128xf32, #tpu.memory_space<vmem>>[vector<16xi32>, vector<16xi32>], vector<16xf32>,
      %broadcast_in_dim3A_133 = vector.broadcast %and3A_92 : i32 to vector<16xi32>
      %iota3A_134 = tpu.iota {dimensions = array<i32: 0>} : vector<16xi32>
      %add3A_135 = arith.constant 0 : i32
      %add3A_136 = vector.broadcast %add3A_135 : i32 to vector<16xi32>
      %add3A_137 = arith.addi %iota3A_134, %add3A_136 : vector<16xi32>
      %gather3A_138 = tpu.vector_load_idx %arg13[%add3A_137, %broadcast_in_dim3A_133] : memref<64x128xf32, #tpu.memory_space<vmem>>[vector<16xi32>, vector<16xi32>], vector<16xf32>,
      %iota3A_139 = tpu.iota {dimensions = array<i32: 0>} : vector<16xi32>
      %add3A_140 = arith.constant 16 : i32
      %add3A_141 = vector.broadcast %add3A_140 : i32 to vector<16xi32>
      %add3A_142 = arith.addi %iota3A_139, %add3A_141 : vector<16xi32>
      %gather3A_143 = tpu.vector_load_idx %arg13[%add3A_142, %broadcast_in_dim3A_133] : memref<64x128xf32, #tpu.memory_space<vmem>>[vector<16xi32>, vector<16xi32>], vector<16xf32>,
      %iota3A_144 = tpu.iota {dimensions = array<i32: 0>} : vector<16xi32>
      %add3A_145 = arith.constant 32 : i32
      %add3A_146 = vector.broadcast %add3A_145 : i32 to vector<16xi32>
      %add3A_147 = arith.addi %iota3A_144, %add3A_146 : vector<16xi32>
      %gather3A_148 = tpu.vector_load_idx %arg13[%add3A_147, %broadcast_in_dim3A_133] : memref<64x128xf32, #tpu.memory_space<vmem>>[vector<16xi32>, vector<16xi32>], vector<16xf32>,
      %iota3A_149 = tpu.iota {dimensions = array<i32: 0>} : vector<16xi32>
      %add3A_150 = arith.constant 48 : i32
      %add3A_151 = vector.broadcast %add3A_150 : i32 to vector<16xi32>
      %add3A_152 = arith.addi %iota3A_149, %add3A_151 : vector<16xi32>
      %gather3A_153 = tpu.vector_load_idx %arg13[%add3A_152, %broadcast_in_dim3A_133] : memref<64x128xf32, #tpu.memory_space<vmem>>[vector<16xi32>, vector<16xi32>], vector<16xf32>,
      %broadcast_in_dim3A_154 = vector.broadcast %and3A_92 : i32 to vector<16xi32>
      %iota3A_155 = tpu.iota {dimensions = array<i32: 0>} : vector<16xi32>
      %add3A_156 = arith.constant 0 : i32
      %add3A_157 = vector.broadcast %add3A_156 : i32 to vector<16xi32>
      %add3A_158 = arith.addi %iota3A_155, %add3A_157 : vector<16xi32>
      %gather3A_159 = tpu.vector_load_idx %arg14[%add3A_158, %broadcast_in_dim3A_154] : memref<64x128xf32, #tpu.memory_space<vmem>>[vector<16xi32>, vector<16xi32>], vector<16xf32>,
      %iota3A_160 = tpu.iota {dimensions = array<i32: 0>} : vector<16xi32>
      %add3A_161 = arith.constant 16 : i32
      %add3A_162 = vector.broadcast %add3A_161 : i32 to vector<16xi32>
      %add3A_163 = arith.addi %iota3A_160, %add3A_162 : vector<16xi32>
      %gather3A_164 = tpu.vector_load_idx %arg14[%add3A_163, %broadcast_in_dim3A_154] : memref<64x128xf32, #tpu.memory_space<vmem>>[vector<16xi32>, vector<16xi32>], vector<16xf32>,
      %iota3A_165 = tpu.iota {dimensions = array<i32: 0>} : vector<16xi32>
      %add3A_166 = arith.constant 32 : i32
      %add3A_167 = vector.broadcast %add3A_166 : i32 to vector<16xi32>
      %add3A_168 = arith.addi %iota3A_165, %add3A_167 : vector<16xi32>
      %gather3A_169 = tpu.vector_load_idx %arg14[%add3A_168, %broadcast_in_dim3A_154] : memref<64x128xf32, #tpu.memory_space<vmem>>[vector<16xi32>, vector<16xi32>], vector<16xf32>,
      %iota3A_170 = tpu.iota {dimensions = array<i32: 0>} : vector<16xi32>
      %add3A_171 = arith.constant 48 : i32
      %add3A_172 = vector.broadcast %add3A_171 : i32 to vector<16xi32>
      %add3A_173 = arith.addi %iota3A_170, %add3A_172 : vector<16xi32>
      %gather3A_174 = tpu.vector_load_idx %arg14[%add3A_173, %broadcast_in_dim3A_154] : memref<64x128xf32, #tpu.memory_space<vmem>>[vector<16xi32>, vector<16xi32>], vector<16xf32>,
      %broadcast_in_dim3A_175 = vector.broadcast %and3A_94 : i32 to vector<16xi32>
      %iota3A_176 = tpu.iota {dimensions = array<i32: 0>} : vector<16xi32>
      %add3A_177 = arith.constant 0 : i32
      %add3A_178 = vector.broadcast %add3A_177 : i32 to vector<16xi32>
      %add3A_179 = arith.addi %iota3A_176, %add3A_178 : vector<16xi32>
      %gather3A_180 = tpu.vector_load_idx %arg15[%add3A_179, %broadcast_in_dim3A_175] : memref<64x128xf32, #tpu.memory_space<vmem>>[vector<16xi32>, vector<16xi32>], vector<16xf32>,
      %iota3A_181 = tpu.iota {dimensions = array<i32: 0>} : vector<16xi32>
      %add3A_182 = arith.constant 16 : i32
      %add3A_183 = vector.broadcast %add3A_182 : i32 to vector<16xi32>
      %add3A_184 = arith.addi %iota3A_181, %add3A_183 : vector<16xi32>
      %gather3A_185 = tpu.vector_load_idx %arg15[%add3A_184, %broadcast_in_dim3A_175] : memref<64x128xf32, #tpu.memory_space<vmem>>[vector<16xi32>, vector<16xi32>], vector<16xf32>,
      %iota3A_186 = tpu.iota {dimensions = array<i32: 0>} : vector<16xi32>
      %add3A_187 = arith.constant 32 : i32
      %add3A_188 = vector.broadcast %add3A_187 : i32 to vector<16xi32>
      %add3A_189 = arith.addi %iota3A_186, %add3A_188 : vector<16xi32>
      %gather3A_190 = tpu.vector_load_idx %arg15[%add3A_189, %broadcast_in_dim3A_175] : memref<64x128xf32, #tpu.memory_space<vmem>>[vector<16xi32>, vector<16xi32>], vector<16xf32>,
      %iota3A_191 = tpu.iota {dimensions = array<i32: 0>} : vector<16xi32>
      %add3A_192 = arith.constant 48 : i32
      %add3A_193 = vector.broadcast %add3A_192 : i32 to vector<16xi32>
      %add3A_194 = arith.addi %iota3A_191, %add3A_193 : vector<16xi32>
      %gather3A_195 = tpu.vector_load_idx %arg15[%add3A_194, %broadcast_in_dim3A_175] : memref<64x128xf32, #tpu.memory_space<vmem>>[vector<16xi32>, vector<16xi32>], vector<16xf32>,
      %broadcast_in_dim3A_196 = vector.broadcast %and3A_94 : i32 to vector<16xi32>
      %iota3A_197 = tpu.iota {dimensions = array<i32: 0>} : vector<16xi32>
      %add3A_198 = arith.constant 0 : i32
      %add3A_199 = vector.broadcast %add3A_198 : i32 to vector<16xi32>
      %add3A_200 = arith.addi %iota3A_197, %add3A_199 : vector<16xi32>
      %gather3A_201 = tpu.vector_load_idx %arg16[%add3A_200, %broadcast_in_dim3A_196] : memref<64x128xf32, #tpu.memory_space<vmem>>[vector<16xi32>, vector<16xi32>], vector<16xf32>,
      %iota3A_202 = tpu.iota {dimensions = array<i32: 0>} : vector<16xi32>
      %add3A_203 = arith.constant 16 : i32
      %add3A_204 = vector.broadcast %add3A_203 : i32 to vector<16xi32>
      %add3A_205 = arith.addi %iota3A_202, %add3A_204 : vector<16xi32>
      %gather3A_206 = tpu.vector_load_idx %arg16[%add3A_205, %broadcast_in_dim3A_196] : memref<64x128xf32, #tpu.memory_space<vmem>>[vector<16xi32>, vector<16xi32>], vector<16xf32>,
      %iota3A_207 = tpu.iota {dimensions = array<i32: 0>} : vector<16xi32>
      %add3A_208 = arith.constant 32 : i32
      %add3A_209 = vector.broadcast %add3A_208 : i32 to vector<16xi32>
      %add3A_210 = arith.addi %iota3A_207, %add3A_209 : vector<16xi32>
      %gather3A_211 = tpu.vector_load_idx %arg16[%add3A_210, %broadcast_in_dim3A_196] : memref<64x128xf32, #tpu.memory_space<vmem>>[vector<16xi32>, vector<16xi32>], vector<16xf32>,
      %iota3A_212 = tpu.iota {dimensions = array<i32: 0>} : vector<16xi32>
      %add3A_213 = arith.constant 48 : i32
      %add3A_214 = vector.broadcast %add3A_213 : i32 to vector<16xi32>
      %add3A_215 = arith.addi %iota3A_212, %add3A_214 : vector<16xi32>
      %gather3A_216 = tpu.vector_load_idx %arg16[%add3A_215, %broadcast_in_dim3A_196] : memref<64x128xf32, #tpu.memory_space<vmem>>[vector<16xi32>, vector<16xi32>], vector<16xf32>,
      %add3A_217 = arith.addf %gather3A, %gather3A_117 : vector<16xf32>
      %add3A_218 = arith.addf %gather3A_101, %gather3A_122 : vector<16xf32>
      %add3A_219 = arith.addf %gather3A_106, %gather3A_127 : vector<16xf32>
      %add3A_220 = arith.addf %gather3A_111, %gather3A_132 : vector<16xf32>
      %add3A_221 = arith.addf %gather3A_138, %gather3A_159 : vector<16xf32>
      %add3A_222 = arith.addf %gather3A_143, %gather3A_164 : vector<16xf32>
      %add3A_223 = arith.addf %gather3A_148, %gather3A_169 : vector<16xf32>
      %add3A_224 = arith.addf %gather3A_153, %gather3A_174 : vector<16xf32>
      %add3A_225 = arith.addf %gather3A_180, %gather3A_201 : vector<16xf32>
      %add3A_226 = arith.addf %gather3A_185, %gather3A_206 : vector<16xf32>
      %add3A_227 = arith.addf %gather3A_190, %gather3A_211 : vector<16xf32>
      %add3A_228 = arith.addf %gather3A_195, %gather3A_216 : vector<16xf32>
      %swap3A = arith.constant 0 : index
      %swap3A_229 = tpu.vector_load %arg17[%swap3A] {strides = array<i32>} : memref<128xf32, #tpu.memory_space<vmem>>, vector<16xf32>,
      tpu.vector_store %arg17[%swap3A], %add3A_221 {strides = array<i32>} : memref<128xf32, #tpu.memory_space<vmem>>, vector<16xf32>,
      %swap3A_230 = arith.constant 64 : index
      %swap3A_231 = tpu.vector_load %arg17[%swap3A_230] {strides = array<i32>} : memref<128xf32, #tpu.memory_space<vmem>>, vector<16xf32>,
      tpu.vector_store %arg17[%swap3A_230], %add3A_221 {strides = array<i32>} : memref<128xf32, #tpu.memory_space<vmem>>, vector<16xf32>,
      %swap3A_232 = arith.constant 16 : index
      %swap3A_233 = tpu.vector_load %arg17[%swap3A_232] {strides = array<i32>} : memref<128xf32, #tpu.memory_space<vmem>>, vector<16xf32>,
      tpu.vector_store %arg17[%swap3A_232], %add3A_222 {strides = array<i32>} : memref<128xf32, #tpu.memory_space<vmem>>, vector<16xf32>,
      %swap3A_234 = arith.constant 80 : index
      %swap3A_235 = tpu.vector_load %arg17[%swap3A_234] {strides = array<i32>} : memref<128xf32, #tpu.memory_space<vmem>>, vector<16xf32>,
      tpu.vector_store %arg17[%swap3A_234], %add3A_222 {strides = array<i32>} : memref<128xf32, #tpu.memory_space<vmem>>, vector<16xf32>,
      %swap3A_236 = arith.constant 32 : index
      %swap3A_237 = tpu.vector_load %arg17[%swap3A_236] {strides = array<i32>} : memref<128xf32, #tpu.memory_space<vmem>>, vector<16xf32>,
      tpu.vector_store %arg17[%swap3A_236], %add3A_223 {strides = array<i32>} : memref<128xf32, #tpu.memory_space<vmem>>, vector<16xf32>,
      %swap3A_238 = arith.constant 96 : index
      %swap3A_239 = tpu.vector_load %arg17[%swap3A_238] {strides = array<i32>} : memref<128xf32, #tpu.memory_space<vmem>>, vector<16xf32>,
      tpu.vector_store %arg17[%swap3A_238], %add3A_223 {strides = array<i32>} : memref<128xf32, #tpu.memory_space<vmem>>, vector<16xf32>,
      %swap3A_240 = arith.constant 48 : index
      %swap3A_241 = tpu.vector_load %arg17[%swap3A_240] {strides = array<i32>} : memref<128xf32, #tpu.memory_space<vmem>>, vector<16xf32>,
      tpu.vector_store %arg17[%swap3A_240], %add3A_224 {strides = array<i32>} : memref<128xf32, #tpu.memory_space<vmem>>, vector<16xf32>,
      %swap3A_242 = arith.constant 112 : index
      %swap3A_243 = tpu.vector_load %arg17[%swap3A_242] {strides = array<i32>} : memref<128xf32, #tpu.memory_space<vmem>>, vector<16xf32>,
      tpu.vector_store %arg17[%swap3A_242], %add3A_224 {strides = array<i32>} : memref<128xf32, #tpu.memory_space<vmem>>, vector<16xf32>,
      %broadcast_in_dim3A_244 = arith.constant 0.000000e+00 : f32
      %broadcast_in_dim3A_245 = vector.broadcast %broadcast_in_dim3A_244 : f32 to vector<16xf32>
      %broadcast_in_dim3A_246 = arith.constant 0.000000e+00 : f32
      %broadcast_in_dim3A_247 = vector.broadcast %broadcast_in_dim3A_246 : f32 to vector<16xf32>
      %broadcast_in_dim3A_248 = arith.constant 0.000000e+00 : f32
      %broadcast_in_dim3A_249 = vector.broadcast %broadcast_in_dim3A_248 : f32 to vector<16xf32>
      %broadcast_in_dim3A_250 = arith.constant 0.000000e+00 : f32
      %broadcast_in_dim3A_251 = vector.broadcast %broadcast_in_dim3A_250 : f32 to vector<16xf32>
      %rev3A = arith.constant 15 : i32
      %rev3A_252 = vector.broadcast %rev3A : i32 to vector<16xi32>
      %rev3A_253 = tpu.iota {dimensions = array<i32: 0>} : vector<16xi32>
      %rev3A_254 = arith.subi %rev3A_252, %rev3A_253 : vector<16xi32>
      %rev3A_255 = tpu.dynamic_gather %add3A_228[%rev3A_254] in [0] : vector<16xf32>, vector<16xi32> -> vector<16xf32>
      %broadcast_in_dim3A_256 = arith.constant 0 : i32
      %broadcast_in_dim3A_257 = vector.broadcast %broadcast_in_dim3A_256 : i32 to vector<16x1xi32>
      %gather3A_258 = vector.shape_cast %broadcast_in_dim3A_257 : vector<16x1xi32> to vector<16xi32>
      %gather3A_259 = tpu.dynamic_gather %rev3A_255[%gather3A_258] in [0] : vector<16xf32>, vector<16xi32> -> vector<16xf32>
      %get3A_260 = arith.constant 1 : index
      %get3A_261 = tpu.vector_load %arg17[%get3A_260] {strides = array<i32>} : memref<128xf32, #tpu.memory_space<vmem>>, vector<16xf32>,
      %mul3A = arith.mulf %gather3A_259, %get3A_261 : vector<16xf32>
      %add3A_262 = arith.addf %broadcast_in_dim3A_245, %mul3A : vector<16xf32>
      %get3A_263 = arith.constant 17 : index
      %get3A_264 = tpu.vector_load %arg17[%get3A_263] {strides = array<i32>} : memref<128xf32, #tpu.memory_space<vmem>>, vector<16xf32>,
      %mul3A_265 = arith.mulf %gather3A_259, %get3A_264 : vector<16xf32>
      %add3A_266 = arith.addf %broadcast_in_dim3A_247, %mul3A_265 : vector<16xf32>
      %get3A_267 = arith.constant 33 : index
      %get3A_268 = tpu.vector_load %arg17[%get3A_267] {strides = array<i32>} : memref<128xf32, #tpu.memory_space<vmem>>, vector<16xf32>,
      %mul3A_269 = arith.mulf %gather3A_259, %get3A_268 : vector<16xf32>
      %add3A_270 = arith.addf %broadcast_in_dim3A_249, %mul3A_269 : vector<16xf32>
      %get3A_271 = arith.constant 49 : index
      %get3A_272 = tpu.vector_load %arg17[%get3A_271] {strides = array<i32>} : memref<128xf32, #tpu.memory_space<vmem>>, vector<16xf32>,
      %mul3A_273 = arith.mulf %gather3A_259, %get3A_272 : vector<16xf32>
      %add3A_274 = arith.addf %broadcast_in_dim3A_251, %mul3A_273 : vector<16xf32>
      %broadcast_in_dim3A_275 = arith.constant 1 : i32
      %broadcast_in_dim3A_276 = vector.broadcast %broadcast_in_dim3A_275 : i32 to vector<16x1xi32>
      %gather3A_277 = vector.shape_cast %broadcast_in_dim3A_276 : vector<16x1xi32> to vector<16xi32>
      %gather3A_278 = tpu.dynamic_gather %rev3A_255[%gather3A_277] in [0] : vector<16xf32>, vector<16xi32> -> vector<16xf32>
      %get3A_279 = arith.constant 2 : index
      %get3A_280 = tpu.vector_load %arg17[%get3A_279] {strides = array<i32>} : memref<128xf32, #tpu.memory_space<vmem>>, vector<16xf32>,
      %mul3A_281 = arith.mulf %gather3A_278, %get3A_280 : vector<16xf32>
      %add3A_282 = arith.addf %add3A_262, %mul3A_281 : vector<16xf32>
      %get3A_283 = arith.constant 18 : index
      %get3A_284 = tpu.vector_load %arg17[%get3A_283] {strides = array<i32>} : memref<128xf32, #tpu.memory_space<vmem>>, vector<16xf32>,
      %mul3A_285 = arith.mulf %gather3A_278, %get3A_284 : vector<16xf32>
      %add3A_286 = arith.addf %add3A_266, %mul3A_285 : vector<16xf32>
      %get3A_287 = arith.constant 34 : index
      %get3A_288 = tpu.vector_load %arg17[%get3A_287] {strides = array<i32>} : memref<128xf32, #tpu.memory_space<vmem>>, vector<16xf32>,
      %mul3A_289 = arith.mulf %gather3A_278, %get3A_288 : vector<16xf32>
      %add3A_290 = arith.addf %add3A_270, %mul3A_289 : vector<16xf32>
      %get3A_291 = arith.constant 50 : index
      %get3A_292 = tpu.vector_load %arg17[%get3A_291] {strides = array<i32>} : memref<128xf32, #tpu.memory_space<vmem>>, vector<16xf32>,
      %mul3A_293 = arith.mulf %gather3A_278, %get3A_292 : vector<16xf32>
      %add3A_294 = arith.addf %add3A_274, %mul3A_293 : vector<16xf32>
      %broadcast_in_dim3A_295 = arith.constant 2 : i32
      %broadcast_in_dim3A_296 = vector.broadcast %broadcast_in_dim3A_295 : i32 to vector<16x1xi32>
      %gather3A_297 = vector.shape_cast %broadcast_in_dim3A_296 : vector<16x1xi32> to vector<16xi32>
      %gather3A_298 = tpu.dynamic_gather %rev3A_255[%gather3A_297] in [0] : vector<16xf32>, vector<16xi32> -> vector<16xf32>
      %get3A_299 = arith.constant 3 : index
      %get3A_300 = tpu.vector_load %arg17[%get3A_299] {strides = array<i32>} : memref<128xf32, #tpu.memory_space<vmem>>, vector<16xf32>,
      %mul3A_301 = arith.mulf %gather3A_298, %get3A_300 : vector<16xf32>
      %add3A_302 = arith.addf %add3A_282, %mul3A_301 : vector<16xf32>
      %get3A_303 = arith.constant 19 : index
      %get3A_304 = tpu.vector_load %arg17[%get3A_303] {strides = array<i32>} : memref<128xf32, #tpu.memory_space<vmem>>, vector<16xf32>,
      %mul3A_305 = arith.mulf %gather3A_298, %get3A_304 : vector<16xf32>
      %add3A_306 = arith.addf %add3A_286, %mul3A_305 : vector<16xf32>
      %get3A_307 = arith.constant 35 : index
      %get3A_308 = tpu.vector_load %arg17[%get3A_307] {strides = array<i32>} : memref<128xf32, #tpu.memory_space<vmem>>, vector<16xf32>,
      %mul3A_309 = arith.mulf %gather3A_298, %get3A_308 : vector<16xf32>
      %add3A_310 = arith.addf %add3A_290, %mul3A_309 : vector<16xf32>
      %get3A_311 = arith.constant 51 : index
      %get3A_312 = tpu.vector_load %arg17[%get3A_311] {strides = array<i32>} : memref<128xf32, #tpu.memory_space<vmem>>, vector<16xf32>,
      %mul3A_313 = arith.mulf %gather3A_298, %get3A_312 : vector<16xf32>
      %add3A_314 = arith.addf %add3A_294, %mul3A_313 : vector<16xf32>
      %broadcast_in_dim3A_315 = arith.constant 3 : i32
      %broadcast_in_dim3A_316 = vector.broadcast %broadcast_in_dim3A_315 : i32 to vector<16x1xi32>
      %gather3A_317 = vector.shape_cast %broadcast_in_dim3A_316 : vector<16x1xi32> to vector<16xi32>
      %gather3A_318 = tpu.dynamic_gather %rev3A_255[%gather3A_317] in [0] : vector<16xf32>, vector<16xi32> -> vector<16xf32>
      %get3A_319 = arith.constant 4 : index
      %get3A_320 = tpu.vector_load %arg17[%get3A_319] {strides = array<i32>} : memref<128xf32, #tpu.memory_space<vmem>>, vector<16xf32>,
      %mul3A_321 = arith.mulf %gather3A_318, %get3A_320 : vector<16xf32>
      %add3A_322 = arith.addf %add3A_302, %mul3A_321 : vector<16xf32>
      %get3A_323 = arith.constant 20 : index
      %get3A_324 = tpu.vector_load %arg17[%get3A_323] {strides = array<i32>} : memref<128xf32, #tpu.memory_space<vmem>>, vector<16xf32>,
      %mul3A_325 = arith.mulf %gather3A_318, %get3A_324 : vector<16xf32>
      %add3A_326 = arith.addf %add3A_306, %mul3A_325 : vector<16xf32>
      %get3A_327 = arith.constant 36 : index
      %get3A_328 = tpu.vector_load %arg17[%get3A_327] {strides = array<i32>} : memref<128xf32, #tpu.memory_space<vmem>>, vector<16xf32>,
      %mul3A_329 = arith.mulf %gather3A_318, %get3A_328 : vector<16xf32>
      %add3A_330 = arith.addf %add3A_310, %mul3A_329 : vector<16xf32>
      %get3A_331 = arith.constant 52 : index
      %get3A_332 = tpu.vector_load %arg17[%get3A_331] {strides = array<i32>} : memref<128xf32, #tpu.memory_space<vmem>>, vector<16xf32>,
      %mul3A_333 = arith.mulf %gather3A_318, %get3A_332 : vector<16xf32>
      %add3A_334 = arith.addf %add3A_314, %mul3A_333 : vector<16xf32>
      %broadcast_in_dim3A_335 = arith.constant 4 : i32
      %broadcast_in_dim3A_336 = vector.broadcast %broadcast_in_dim3A_335 : i32 to vector<16x1xi32>
      %gather3A_337 = vector.shape_cast %broadcast_in_dim3A_336 : vector<16x1xi32> to vector<16xi32>
      %gather3A_338 = tpu.dynamic_gather %rev3A_255[%gather3A_337] in [0] : vector<16xf32>, vector<16xi32> -> vector<16xf32>
      %get3A_339 = arith.constant 5 : index
      %get3A_340 = tpu.vector_load %arg17[%get3A_339] {strides = array<i32>} : memref<128xf32, #tpu.memory_space<vmem>>, vector<16xf32>,
      %mul3A_341 = arith.mulf %gather3A_338, %get3A_340 : vector<16xf32>
      %add3A_342 = arith.addf %add3A_322, %mul3A_341 : vector<16xf32>
      %get3A_343 = arith.constant 21 : index
      %get3A_344 = tpu.vector_load %arg17[%get3A_343] {strides = array<i32>} : memref<128xf32, #tpu.memory_space<vmem>>, vector<16xf32>,
      %mul3A_345 = arith.mulf %gather3A_338, %get3A_344 : vector<16xf32>
      %add3A_346 = arith.addf %add3A_326, %mul3A_345 : vector<16xf32>
      %get3A_347 = arith.constant 37 : index
      %get3A_348 = tpu.vector_load %arg17[%get3A_347] {strides = array<i32>} : memref<128xf32, #tpu.memory_space<vmem>>, vector<16xf32>,
      %mul3A_349 = arith.mulf %gather3A_338, %get3A_348 : vector<16xf32>
      %add3A_350 = arith.addf %add3A_330, %mul3A_349 : vector<16xf32>
      %get3A_351 = arith.constant 53 : index
      %get3A_352 = tpu.vector_load %arg17[%get3A_351] {strides = array<i32>} : memref<128xf32, #tpu.memory_space<vmem>>, vector<16xf32>,
      %mul3A_353 = arith.mulf %gather3A_338, %get3A_352 : vector<16xf32>
      %add3A_354 = arith.addf %add3A_334, %mul3A_353 : vector<16xf32>
      %broadcast_in_dim3A_355 = arith.constant 5 : i32
      %broadcast_in_dim3A_356 = vector.broadcast %broadcast_in_dim3A_355 : i32 to vector<16x1xi32>
      %gather3A_357 = vector.shape_cast %broadcast_in_dim3A_356 : vector<16x1xi32> to vector<16xi32>
      %gather3A_358 = tpu.dynamic_gather %rev3A_255[%gather3A_357] in [0] : vector<16xf32>, vector<16xi32> -> vector<16xf32>
      %get3A_359 = arith.constant 6 : index
      %get3A_360 = tpu.vector_load %arg17[%get3A_359] {strides = array<i32>} : memref<128xf32, #tpu.memory_space<vmem>>, vector<16xf32>,
      %mul3A_361 = arith.mulf %gather3A_358, %get3A_360 : vector<16xf32>
      %add3A_362 = arith.addf %add3A_342, %mul3A_361 : vector<16xf32>
      %get3A_363 = arith.constant 22 : index
      %get3A_364 = tpu.vector_load %arg17[%get3A_363] {strides = array<i32>} : memref<128xf32, #tpu.memory_space<vmem>>, vector<16xf32>,
      %mul3A_365 = arith.mulf %gather3A_358, %get3A_364 : vector<16xf32>
      %add3A_366 = arith.addf %add3A_346, %mul3A_365 : vector<16xf32>
      %get3A_367 = arith.constant 38 : index
      %get3A_368 = tpu.vector_load %arg17[%get3A_367] {strides = array<i32>} : memref<128xf32, #tpu.memory_space<vmem>>, vector<16xf32>,
      %mul3A_369 = arith.mulf %gather3A_358, %get3A_368 : vector<16xf32>
      %add3A_370 = arith.addf %add3A_350, %mul3A_369 : vector<16xf32>
      %get3A_371 = arith.constant 54 : index
      %get3A_372 = tpu.vector_load %arg17[%get3A_371] {strides = array<i32>} : memref<128xf32, #tpu.memory_space<vmem>>, vector<16xf32>,
      %mul3A_373 = arith.mulf %gather3A_358, %get3A_372 : vector<16xf32>
      %add3A_374 = arith.addf %add3A_354, %mul3A_373 : vector<16xf32>
      %broadcast_in_dim3A_375 = arith.constant 6 : i32
      %broadcast_in_dim3A_376 = vector.broadcast %broadcast_in_dim3A_375 : i32 to vector<16x1xi32>
      %gather3A_377 = vector.shape_cast %broadcast_in_dim3A_376 : vector<16x1xi32> to vector<16xi32>
      %gather3A_378 = tpu.dynamic_gather %rev3A_255[%gather3A_377] in [0] : vector<16xf32>, vector<16xi32> -> vector<16xf32>
      %get3A_379 = arith.constant 7 : index
      %get3A_380 = tpu.vector_load %arg17[%get3A_379] {strides = array<i32>} : memref<128xf32, #tpu.memory_space<vmem>>, vector<16xf32>,
      %mul3A_381 = arith.mulf %gather3A_378, %get3A_380 : vector<16xf32>
      %add3A_382 = arith.addf %add3A_362, %mul3A_381 : vector<16xf32>
      %get3A_383 = arith.constant 23 : index
      %get3A_384 = tpu.vector_load %arg17[%get3A_383] {strides = array<i32>} : memref<128xf32, #tpu.memory_space<vmem>>, vector<16xf32>,
      %mul3A_385 = arith.mulf %gather3A_378, %get3A_384 : vector<16xf32>
      %add3A_386 = arith.addf %add3A_366, %mul3A_385 : vector<16xf32>
      %get3A_387 = arith.constant 39 : index
      %get3A_388 = tpu.vector_load %arg17[%get3A_387] {strides = array<i32>} : memref<128xf32, #tpu.memory_space<vmem>>, vector<16xf32>,
      %mul3A_389 = arith.mulf %gather3A_378, %get3A_388 : vector<16xf32>
      %add3A_390 = arith.addf %add3A_370, %mul3A_389 : vector<16xf32>
      %get3A_391 = arith.constant 55 : index
      %get3A_392 = tpu.vector_load %arg17[%get3A_391] {strides = array<i32>} : memref<128xf32, #tpu.memory_space<vmem>>, vector<16xf32>,
      %mul3A_393 = arith.mulf %gather3A_378, %get3A_392 : vector<16xf32>
      %add3A_394 = arith.addf %add3A_374, %mul3A_393 : vector<16xf32>
      %broadcast_in_dim3A_395 = arith.constant 7 : i32
      %broadcast_in_dim3A_396 = vector.broadcast %broadcast_in_dim3A_395 : i32 to vector<16x1xi32>
      %gather3A_397 = vector.shape_cast %broadcast_in_dim3A_396 : vector<16x1xi32> to vector<16xi32>
      %gather3A_398 = tpu.dynamic_gather %rev3A_255[%gather3A_397] in [0] : vector<16xf32>, vector<16xi32> -> vector<16xf32>
      %get3A_399 = arith.constant 8 : index
      %get3A_400 = tpu.vector_load %arg17[%get3A_399] {strides = array<i32>} : memref<128xf32, #tpu.memory_space<vmem>>, vector<16xf32>,
      %mul3A_401 = arith.mulf %gather3A_398, %get3A_400 : vector<16xf32>
      %add3A_402 = arith.addf %add3A_382, %mul3A_401 : vector<16xf32>
      %get3A_403 = arith.constant 24 : index
      %get3A_404 = tpu.vector_load %arg17[%get3A_403] {strides = array<i32>} : memref<128xf32, #tpu.memory_space<vmem>>, vector<16xf32>,
      %mul3A_405 = arith.mulf %gather3A_398, %get3A_404 : vector<16xf32>
      %add3A_406 = arith.addf %add3A_386, %mul3A_405 : vector<16xf32>
      %get3A_407 = arith.constant 40 : index
      %get3A_408 = tpu.vector_load %arg17[%get3A_407] {strides = array<i32>} : memref<128xf32, #tpu.memory_space<vmem>>, vector<16xf32>,
      %mul3A_409 = arith.mulf %gather3A_398, %get3A_408 : vector<16xf32>
      %add3A_410 = arith.addf %add3A_390, %mul3A_409 : vector<16xf32>
      %get3A_411 = arith.constant 56 : index
      %get3A_412 = tpu.vector_load %arg17[%get3A_411] {strides = array<i32>} : memref<128xf32, #tpu.memory_space<vmem>>, vector<16xf32>,
      %mul3A_413 = arith.mulf %gather3A_398, %get3A_412 : vector<16xf32>
      %add3A_414 = arith.addf %add3A_394, %mul3A_413 : vector<16xf32>
      %broadcast_in_dim3A_415 = arith.constant 8 : i32
      %broadcast_in_dim3A_416 = vector.broadcast %broadcast_in_dim3A_415 : i32 to vector<16x1xi32>
      %gather3A_417 = vector.shape_cast %broadcast_in_dim3A_416 : vector<16x1xi32> to vector<16xi32>
      %gather3A_418 = tpu.dynamic_gather %rev3A_255[%gather3A_417] in [0] : vector<16xf32>, vector<16xi32> -> vector<16xf32>
      %get3A_419 = arith.constant 9 : index
      %get3A_420 = tpu.vector_load %arg17[%get3A_419] {strides = array<i32>} : memref<128xf32, #tpu.memory_space<vmem>>, vector<16xf32>,
      %mul3A_421 = arith.mulf %gather3A_418, %get3A_420 : vector<16xf32>
      %add3A_422 = arith.addf %add3A_402, %mul3A_421 : vector<16xf32>
      %get3A_423 = arith.constant 25 : index
      %get3A_424 = tpu.vector_load %arg17[%get3A_423] {strides = array<i32>} : memref<128xf32, #tpu.memory_space<vmem>>, vector<16xf32>,
      %mul3A_425 = arith.mulf %gather3A_418, %get3A_424 : vector<16xf32>
      %add3A_426 = arith.addf %add3A_406, %mul3A_425 : vector<16xf32>
      %get3A_427 = arith.constant 41 : index
      %get3A_428 = tpu.vector_load %arg17[%get3A_427] {strides = array<i32>} : memref<128xf32, #tpu.memory_space<vmem>>, vector<16xf32>,
      %mul3A_429 = arith.mulf %gather3A_418, %get3A_428 : vector<16xf32>
      %add3A_430 = arith.addf %add3A_410, %mul3A_429 : vector<16xf32>
      %get3A_431 = arith.constant 57 : index
      %get3A_432 = tpu.vector_load %arg17[%get3A_431] {strides = array<i32>} : memref<128xf32, #tpu.memory_space<vmem>>, vector<16xf32>,
      %mul3A_433 = arith.mulf %gather3A_418, %get3A_432 : vector<16xf32>
      %add3A_434 = arith.addf %add3A_414, %mul3A_433 : vector<16xf32>
      %broadcast_in_dim3A_435 = arith.constant 9 : i32
      %broadcast_in_dim3A_436 = vector.broadcast %broadcast_in_dim3A_435 : i32 to vector<16x1xi32>
      %gather3A_437 = vector.shape_cast %broadcast_in_dim3A_436 : vector<16x1xi32> to vector<16xi32>
      %gather3A_438 = tpu.dynamic_gather %rev3A_255[%gather3A_437] in [0] : vector<16xf32>, vector<16xi32> -> vector<16xf32>
      %get3A_439 = arith.constant 10 : index
      %get3A_440 = tpu.vector_load %arg17[%get3A_439] {strides = array<i32>} : memref<128xf32, #tpu.memory_space<vmem>>, vector<16xf32>,
      %mul3A_441 = arith.mulf %gather3A_438, %get3A_440 : vector<16xf32>
      %add3A_442 = arith.addf %add3A_422, %mul3A_441 : vector<16xf32>
      %get3A_443 = arith.constant 26 : index
      %get3A_444 = tpu.vector_load %arg17[%get3A_443] {strides = array<i32>} : memref<128xf32, #tpu.memory_space<vmem>>, vector<16xf32>,
      %mul3A_445 = arith.mulf %gather3A_438, %get3A_444 : vector<16xf32>
      %add3A_446 = arith.addf %add3A_426, %mul3A_445 : vector<16xf32>
      %get3A_447 = arith.constant 42 : index
      %get3A_448 = tpu.vector_load %arg17[%get3A_447] {strides = array<i32>} : memref<128xf32, #tpu.memory_space<vmem>>, vector<16xf32>,
      %mul3A_449 = arith.mulf %gather3A_438, %get3A_448 : vector<16xf32>
      %add3A_450 = arith.addf %add3A_430, %mul3A_449 : vector<16xf32>
      %get3A_451 = arith.constant 58 : index
      %get3A_452 = tpu.vector_load %arg17[%get3A_451] {strides = array<i32>} : memref<128xf32, #tpu.memory_space<vmem>>, vector<16xf32>,
      %mul3A_453 = arith.mulf %gather3A_438, %get3A_452 : vector<16xf32>
      %add3A_454 = arith.addf %add3A_434, %mul3A_453 : vector<16xf32>
      %broadcast_in_dim3A_455 = arith.constant 10 : i32
      %broadcast_in_dim3A_456 = vector.broadcast %broadcast_in_dim3A_455 : i32 to vector<16x1xi32>
      %gather3A_457 = vector.shape_cast %broadcast_in_dim3A_456 : vector<16x1xi32> to vector<16xi32>
      %gather3A_458 = tpu.dynamic_gather %rev3A_255[%gather3A_457] in [0] : vector<16xf32>, vector<16xi32> -> vector<16xf32>
      %get3A_459 = arith.constant 11 : index
      %get3A_460 = tpu.vector_load %arg17[%get3A_459] {strides = array<i32>} : memref<128xf32, #tpu.memory_space<vmem>>, vector<16xf32>,
      %mul3A_461 = arith.mulf %gather3A_458, %get3A_460 : vector<16xf32>
      %add3A_462 = arith.addf %add3A_442, %mul3A_461 : vector<16xf32>
      %get3A_463 = arith.constant 27 : index
      %get3A_464 = tpu.vector_load %arg17[%get3A_463] {strides = array<i32>} : memref<128xf32, #tpu.memory_space<vmem>>, vector<16xf32>,
      %mul3A_465 = arith.mulf %gather3A_458, %get3A_464 : vector<16xf32>
      %add3A_466 = arith.addf %add3A_446, %mul3A_465 : vector<16xf32>
      %get3A_467 = arith.constant 43 : index
      %get3A_468 = tpu.vector_load %arg17[%get3A_467] {strides = array<i32>} : memref<128xf32, #tpu.memory_space<vmem>>, vector<16xf32>,
      %mul3A_469 = arith.mulf %gather3A_458, %get3A_468 : vector<16xf32>
      %add3A_470 = arith.addf %add3A_450, %mul3A_469 : vector<16xf32>
      %get3A_471 = arith.constant 59 : index
      %get3A_472 = tpu.vector_load %arg17[%get3A_471] {strides = array<i32>} : memref<128xf32, #tpu.memory_space<vmem>>, vector<16xf32>,
      %mul3A_473 = arith.mulf %gather3A_458, %get3A_472 : vector<16xf32>
      %add3A_474 = arith.addf %add3A_454, %mul3A_473 : vector<16xf32>
      %broadcast_in_dim3A_475 = arith.constant 11 : i32
      %broadcast_in_dim3A_476 = vector.broadcast %broadcast_in_dim3A_475 : i32 to vector<16x1xi32>
      %gather3A_477 = vector.shape_cast %broadcast_in_dim3A_476 : vector<16x1xi32> to vector<16xi32>
      %gather3A_478 = tpu.dynamic_gather %rev3A_255[%gather3A_477] in [0] : vector<16xf32>, vector<16xi32> -> vector<16xf32>
      %get3A_479 = arith.constant 12 : index
      %get3A_480 = tpu.vector_load %arg17[%get3A_479] {strides = array<i32>} : memref<128xf32, #tpu.memory_space<vmem>>, vector<16xf32>,
      %mul3A_481 = arith.mulf %gather3A_478, %get3A_480 : vector<16xf32>
      %add3A_482 = arith.addf %add3A_462, %mul3A_481 : vector<16xf32>
      %get3A_483 = arith.constant 28 : index
      %get3A_484 = tpu.vector_load %arg17[%get3A_483] {strides = array<i32>} : memref<128xf32, #tpu.memory_space<vmem>>, vector<16xf32>,
      %mul3A_485 = arith.mulf %gather3A_478, %get3A_484 : vector<16xf32>
      %add3A_486 = arith.addf %add3A_466, %mul3A_485 : vector<16xf32>
      %get3A_487 = arith.constant 44 : index
      %get3A_488 = tpu.vector_load %arg17[%get3A_487] {strides = array<i32>} : memref<128xf32, #tpu.memory_space<vmem>>, vector<16xf32>,
      %mul3A_489 = arith.mulf %gather3A_478, %get3A_488 : vector<16xf32>
      %add3A_490 = arith.addf %add3A_470, %mul3A_489 : vector<16xf32>
      %get3A_491 = arith.constant 60 : index
      %get3A_492 = tpu.vector_load %arg17[%get3A_491] {strides = array<i32>} : memref<128xf32, #tpu.memory_space<vmem>>, vector<16xf32>,
      %mul3A_493 = arith.mulf %gather3A_478, %get3A_492 : vector<16xf32>
      %add3A_494 = arith.addf %add3A_474, %mul3A_493 : vector<16xf32>
      %broadcast_in_dim3A_495 = arith.constant 12 : i32
      %broadcast_in_dim3A_496 = vector.broadcast %broadcast_in_dim3A_495 : i32 to vector<16x1xi32>
      %gather3A_497 = vector.shape_cast %broadcast_in_dim3A_496 : vector<16x1xi32> to vector<16xi32>
      %gather3A_498 = tpu.dynamic_gather %rev3A_255[%gather3A_497] in [0] : vector<16xf32>, vector<16xi32> -> vector<16xf32>
      %get3A_499 = arith.constant 13 : index
      %get3A_500 = tpu.vector_load %arg17[%get3A_499] {strides = array<i32>} : memref<128xf32, #tpu.memory_space<vmem>>, vector<16xf32>,
      %mul3A_501 = arith.mulf %gather3A_498, %get3A_500 : vector<16xf32>
      %add3A_502 = arith.addf %add3A_482, %mul3A_501 : vector<16xf32>
      %get3A_503 = arith.constant 29 : index
      %get3A_504 = tpu.vector_load %arg17[%get3A_503] {strides = array<i32>} : memref<128xf32, #tpu.memory_space<vmem>>, vector<16xf32>,
      %mul3A_505 = arith.mulf %gather3A_498, %get3A_504 : vector<16xf32>
      %add3A_506 = arith.addf %add3A_486, %mul3A_505 : vector<16xf32>
      %get3A_507 = arith.constant 45 : index
      %get3A_508 = tpu.vector_load %arg17[%get3A_507] {strides = array<i32>} : memref<128xf32, #tpu.memory_space<vmem>>, vector<16xf32>,
      %mul3A_509 = arith.mulf %gather3A_498, %get3A_508 : vector<16xf32>
      %add3A_510 = arith.addf %add3A_490, %mul3A_509 : vector<16xf32>
      %get3A_511 = arith.constant 61 : index
      %get3A_512 = tpu.vector_load %arg17[%get3A_511] {strides = array<i32>} : memref<128xf32, #tpu.memory_space<vmem>>, vector<16xf32>,
      %mul3A_513 = arith.mulf %gather3A_498, %get3A_512 : vector<16xf32>
      %add3A_514 = arith.addf %add3A_494, %mul3A_513 : vector<16xf32>
      %broadcast_in_dim3A_515 = arith.constant 13 : i32
      %broadcast_in_dim3A_516 = vector.broadcast %broadcast_in_dim3A_515 : i32 to vector<16x1xi32>
      %gather3A_517 = vector.shape_cast %broadcast_in_dim3A_516 : vector<16x1xi32> to vector<16xi32>
      %gather3A_518 = tpu.dynamic_gather %rev3A_255[%gather3A_517] in [0] : vector<16xf32>, vector<16xi32> -> vector<16xf32>
      %get3A_519 = arith.constant 14 : index
      %get3A_520 = tpu.vector_load %arg17[%get3A_519] {strides = array<i32>} : memref<128xf32, #tpu.memory_space<vmem>>, vector<16xf32>,
      %mul3A_521 = arith.mulf %gather3A_518, %get3A_520 : vector<16xf32>
      %add3A_522 = arith.addf %add3A_502, %mul3A_521 : vector<16xf32>
      %get3A_523 = arith.constant 30 : index
      %get3A_524 = tpu.vector_load %arg17[%get3A_523] {strides = array<i32>} : memref<128xf32, #tpu.memory_space<vmem>>, vector<16xf32>,
      %mul3A_525 = arith.mulf %gather3A_518, %get3A_524 : vector<16xf32>
      %add3A_526 = arith.addf %add3A_506, %mul3A_525 : vector<16xf32>
      %get3A_527 = arith.constant 46 : index
      %get3A_528 = tpu.vector_load %arg17[%get3A_527] {strides = array<i32>} : memref<128xf32, #tpu.memory_space<vmem>>, vector<16xf32>,
      %mul3A_529 = arith.mulf %gather3A_518, %get3A_528 : vector<16xf32>
      %add3A_530 = arith.addf %add3A_510, %mul3A_529 : vector<16xf32>
      %get3A_531 = arith.constant 62 : index
      %get3A_532 = tpu.vector_load %arg17[%get3A_531] {strides = array<i32>} : memref<128xf32, #tpu.memory_space<vmem>>, vector<16xf32>,
      %mul3A_533 = arith.mulf %gather3A_518, %get3A_532 : vector<16xf32>
      %add3A_534 = arith.addf %add3A_514, %mul3A_533 : vector<16xf32>
      %broadcast_in_dim3A_535 = arith.constant 14 : i32
      %broadcast_in_dim3A_536 = vector.broadcast %broadcast_in_dim3A_535 : i32 to vector<16x1xi32>
      %gather3A_537 = vector.shape_cast %broadcast_in_dim3A_536 : vector<16x1xi32> to vector<16xi32>
      %gather3A_538 = tpu.dynamic_gather %rev3A_255[%gather3A_537] in [0] : vector<16xf32>, vector<16xi32> -> vector<16xf32>
      %get3A_539 = arith.constant 15 : index
      %get3A_540 = tpu.vector_load %arg17[%get3A_539] {strides = array<i32>} : memref<128xf32, #tpu.memory_space<vmem>>, vector<16xf32>,
      %mul3A_541 = arith.mulf %gather3A_538, %get3A_540 : vector<16xf32>
      %add3A_542 = arith.addf %add3A_522, %mul3A_541 : vector<16xf32>
      %get3A_543 = arith.constant 31 : index
      %get3A_544 = tpu.vector_load %arg17[%get3A_543] {strides = array<i32>} : memref<128xf32, #tpu.memory_space<vmem>>, vector<16xf32>,
      %mul3A_545 = arith.mulf %gather3A_538, %get3A_544 : vector<16xf32>
      %add3A_546 = arith.addf %add3A_526, %mul3A_545 : vector<16xf32>
      %get3A_547 = arith.constant 47 : index
      %get3A_548 = tpu.vector_load %arg17[%get3A_547] {strides = array<i32>} : memref<128xf32, #tpu.memory_space<vmem>>, vector<16xf32>,
      %mul3A_549 = arith.mulf %gather3A_538, %get3A_548 : vector<16xf32>
      %add3A_550 = arith.addf %add3A_530, %mul3A_549 : vector<16xf32>
      %get3A_551 = arith.constant 63 : index
      %get3A_552 = tpu.vector_load %arg17[%get3A_551] {strides = array<i32>} : memref<128xf32, #tpu.memory_space<vmem>>, vector<16xf32>,
      %mul3A_553 = arith.mulf %gather3A_538, %get3A_552 : vector<16xf32>
      %add3A_554 = arith.addf %add3A_534, %mul3A_553 : vector<16xf32>
      %broadcast_in_dim3A_555 = arith.constant 15 : i32
      %broadcast_in_dim3A_556 = vector.broadcast %broadcast_in_dim3A_555 : i32 to vector<16x1xi32>
      %gather3A_557 = vector.shape_cast %broadcast_in_dim3A_556 : vector<16x1xi32> to vector<16xi32>
      %gather3A_558 = tpu.dynamic_gather %rev3A_255[%gather3A_557] in [0] : vector<16xf32>, vector<16xi32> -> vector<16xf32>
      %get3A_559 = arith.constant 16 : index
      %get3A_560 = tpu.vector_load %arg17[%get3A_559] {strides = array<i32>} : memref<128xf32, #tpu.memory_space<vmem>>, vector<16xf32>,
      %mul3A_561 = arith.mulf %gather3A_558, %get3A_560 : vector<16xf32>
      %add3A_562 = arith.addf %add3A_542, %mul3A_561 : vector<16xf32>
      %get3A_563 = arith.constant 32 : index
      %get3A_564 = tpu.vector_load %arg17[%get3A_563] {strides = array<i32>} : memref<128xf32, #tpu.memory_space<vmem>>, vector<16xf32>,
      %mul3A_565 = arith.mulf %gather3A_558, %get3A_564 : vector<16xf32>
      %add3A_566 = arith.addf %add3A_546, %mul3A_565 : vector<16xf32>
      %get3A_567 = arith.constant 48 : index
      %get3A_568 = tpu.vector_load %arg17[%get3A_567] {strides = array<i32>} : memref<128xf32, #tpu.memory_space<vmem>>, vector<16xf32>,
      %mul3A_569 = arith.mulf %gather3A_558, %get3A_568 : vector<16xf32>
      %add3A_570 = arith.addf %add3A_550, %mul3A_569 : vector<16xf32>
      %get3A_571 = arith.constant 64 : index
      %get3A_572 = tpu.vector_load %arg17[%get3A_571] {strides = array<i32>} : memref<128xf32, #tpu.memory_space<vmem>>, vector<16xf32>,
      %mul3A_573 = arith.mulf %gather3A_558, %get3A_572 : vector<16xf32>
      %add3A_574 = arith.addf %add3A_554, %mul3A_573 : vector<16xf32>
      %rev3A_575 = arith.constant 15 : i32
      %rev3A_576 = vector.broadcast %rev3A_575 : i32 to vector<16xi32>
      %rev3A_577 = tpu.iota {dimensions = array<i32: 0>} : vector<16xi32>
      %rev3A_578 = arith.subi %rev3A_576, %rev3A_577 : vector<16xi32>
      %rev3A_579 = tpu.dynamic_gather %add3A_227[%rev3A_578] in [0] : vector<16xf32>, vector<16xi32> -> vector<16xf32>
      %broadcast_in_dim3A_580 = arith.constant 0 : i32
      %broadcast_in_dim3A_581 = vector.broadcast %broadcast_in_dim3A_580 : i32 to vector<16x1xi32>
      %gather3A_582 = vector.shape_cast %broadcast_in_dim3A_581 : vector<16x1xi32> to vector<16xi32>
      %gather3A_583 = tpu.dynamic_gather %rev3A_579[%gather3A_582] in [0] : vector<16xf32>, vector<16xi32> -> vector<16xf32>
      %get3A_584 = arith.constant 17 : index
      %get3A_585 = tpu.vector_load %arg17[%get3A_584] {strides = array<i32>} : memref<128xf32, #tpu.memory_space<vmem>>, vector<16xf32>,
      %mul3A_586 = arith.mulf %gather3A_583, %get3A_585 : vector<16xf32>
      %add3A_587 = arith.addf %add3A_562, %mul3A_586 : vector<16xf32>
      %get3A_588 = arith.constant 33 : index
      %get3A_589 = tpu.vector_load %arg17[%get3A_588] {strides = array<i32>} : memref<128xf32, #tpu.memory_space<vmem>>, vector<16xf32>,
      %mul3A_590 = arith.mulf %gather3A_583, %get3A_589 : vector<16xf32>
      %add3A_591 = arith.addf %add3A_566, %mul3A_590 : vector<16xf32>
      %get3A_592 = arith.constant 49 : index
      %get3A_593 = tpu.vector_load %arg17[%get3A_592] {strides = array<i32>} : memref<128xf32, #tpu.memory_space<vmem>>, vector<16xf32>,
      %mul3A_594 = arith.mulf %gather3A_583, %get3A_593 : vector<16xf32>
      %add3A_595 = arith.addf %add3A_570, %mul3A_594 : vector<16xf32>
      %get3A_596 = arith.constant 65 : index
      %get3A_597 = tpu.vector_load %arg17[%get3A_596] {strides = array<i32>} : memref<128xf32, #tpu.memory_space<vmem>>, vector<16xf32>,
      %mul3A_598 = arith.mulf %gather3A_583, %get3A_597 : vector<16xf32>
      %add3A_599 = arith.addf %add3A_574, %mul3A_598 : vector<16xf32>
      %broadcast_in_dim3A_600 = arith.constant 1 : i32
      %broadcast_in_dim3A_601 = vector.broadcast %broadcast_in_dim3A_600 : i32 to vector<16x1xi32>
      %gather3A_602 = vector.shape_cast %broadcast_in_dim3A_601 : vector<16x1xi32> to vector<16xi32>
      %gather3A_603 = tpu.dynamic_gather %rev3A_579[%gather3A_602] in [0] : vector<16xf32>, vector<16xi32> -> vector<16xf32>
      %get3A_604 = arith.constant 18 : index
      %get3A_605 = tpu.vector_load %arg17[%get3A_604] {strides = array<i32>} : memref<128xf32, #tpu.memory_space<vmem>>, vector<16xf32>,
      %mul3A_606 = arith.mulf %gather3A_603, %get3A_605 : vector<16xf32>
      %add3A_607 = arith.addf %add3A_587, %mul3A_606 : vector<16xf32>
      %get3A_608 = arith.constant 34 : index
      %get3A_609 = tpu.vector_load %arg17[%get3A_608] {strides = array<i32>} : memref<128xf32, #tpu.memory_space<vmem>>, vector<16xf32>,
      %mul3A_610 = arith.mulf %gather3A_603, %get3A_609 : vector<16xf32>
      %add3A_611 = arith.addf %add3A_591, %mul3A_610 : vector<16xf32>
      %get3A_612 = arith.constant 50 : index
      %get3A_613 = tpu.vector_load %arg17[%get3A_612] {strides = array<i32>} : memref<128xf32, #tpu.memory_space<vmem>>, vector<16xf32>,
      %mul3A_614 = arith.mulf %gather3A_603, %get3A_613 : vector<16xf32>
      %add3A_615 = arith.addf %add3A_595, %mul3A_614 : vector<16xf32>
      %get3A_616 = arith.constant 66 : index
      %get3A_617 = tpu.vector_load %arg17[%get3A_616] {strides = array<i32>} : memref<128xf32, #tpu.memory_space<vmem>>, vector<16xf32>,
      %mul3A_618 = arith.mulf %gather3A_603, %get3A_617 : vector<16xf32>
      %add3A_619 = arith.addf %add3A_599, %mul3A_618 : vector<16xf32>
      %broadcast_in_dim3A_620 = arith.constant 2 : i32
      %broadcast_in_dim3A_621 = vector.broadcast %broadcast_in_dim3A_620 : i32 to vector<16x1xi32>
      %gather3A_622 = vector.shape_cast %broadcast_in_dim3A_621 : vector<16x1xi32> to vector<16xi32>
      %gather3A_623 = tpu.dynamic_gather %rev3A_579[%gather3A_622] in [0] : vector<16xf32>, vector<16xi32> -> vector<16xf32>
      %get3A_624 = arith.constant 19 : index
      %get3A_625 = tpu.vector_load %arg17[%get3A_624] {strides = array<i32>} : memref<128xf32, #tpu.memory_space<vmem>>, vector<16xf32>,
      %mul3A_626 = arith.mulf %gather3A_623, %get3A_625 : vector<16xf32>
      %add3A_627 = arith.addf %add3A_607, %mul3A_626 : vector<16xf32>
      %get3A_628 = arith.constant 35 : index
      %get3A_629 = tpu.vector_load %arg17[%get3A_628] {strides = array<i32>} : memref<128xf32, #tpu.memory_space<vmem>>, vector<16xf32>,
      %mul3A_630 = arith.mulf %gather3A_623, %get3A_629 : vector<16xf32>
      %add3A_631 = arith.addf %add3A_611, %mul3A_630 : vector<16xf32>
      %get3A_632 = arith.constant 51 : index
      %get3A_633 = tpu.vector_load %arg17[%get3A_632] {strides = array<i32>} : memref<128xf32, #tpu.memory_space<vmem>>, vector<16xf32>,
      %mul3A_634 = arith.mulf %gather3A_623, %get3A_633 : vector<16xf32>
      %add3A_635 = arith.addf %add3A_615, %mul3A_634 : vector<16xf32>
      %get3A_636 = arith.constant 67 : index
      %get3A_637 = tpu.vector_load %arg17[%get3A_636] {strides = array<i32>} : memref<128xf32, #tpu.memory_space<vmem>>, vector<16xf32>,
      %mul3A_638 = arith.mulf %gather3A_623, %get3A_637 : vector<16xf32>
      %add3A_639 = arith.addf %add3A_619, %mul3A_638 : vector<16xf32>
      %broadcast_in_dim3A_640 = arith.constant 3 : i32
      %broadcast_in_dim3A_641 = vector.broadcast %broadcast_in_dim3A_640 : i32 to vector<16x1xi32>
      %gather3A_642 = vector.shape_cast %broadcast_in_dim3A_641 : vector<16x1xi32> to vector<16xi32>
      %gather3A_643 = tpu.dynamic_gather %rev3A_579[%gather3A_642] in [0] : vector<16xf32>, vector<16xi32> -> vector<16xf32>
      %get3A_644 = arith.constant 20 : index
      %get3A_645 = tpu.vector_load %arg17[%get3A_644] {strides = array<i32>} : memref<128xf32, #tpu.memory_space<vmem>>, vector<16xf32>,
      %mul3A_646 = arith.mulf %gather3A_643, %get3A_645 : vector<16xf32>
      %add3A_647 = arith.addf %add3A_627, %mul3A_646 : vector<16xf32>
      %get3A_648 = arith.constant 36 : index
      %get3A_649 = tpu.vector_load %arg17[%get3A_648] {strides = array<i32>} : memref<128xf32, #tpu.memory_space<vmem>>, vector<16xf32>,
      %mul3A_650 = arith.mulf %gather3A_643, %get3A_649 : vector<16xf32>
      %add3A_651 = arith.addf %add3A_631, %mul3A_650 : vector<16xf32>
      %get3A_652 = arith.constant 52 : index
      %get3A_653 = tpu.vector_load %arg17[%get3A_652] {strides = array<i32>} : memref<128xf32, #tpu.memory_space<vmem>>, vector<16xf32>,
      %mul3A_654 = arith.mulf %gather3A_643, %get3A_653 : vector<16xf32>
      %add3A_655 = arith.addf %add3A_635, %mul3A_654 : vector<16xf32>
      %get3A_656 = arith.constant 68 : index
      %get3A_657 = tpu.vector_load %arg17[%get3A_656] {strides = array<i32>} : memref<128xf32, #tpu.memory_space<vmem>>, vector<16xf32>,
      %mul3A_658 = arith.mulf %gather3A_643, %get3A_657 : vector<16xf32>
      %add3A_659 = arith.addf %add3A_639, %mul3A_658 : vector<16xf32>
      %broadcast_in_dim3A_660 = arith.constant 4 : i32
      %broadcast_in_dim3A_661 = vector.broadcast %broadcast_in_dim3A_660 : i32 to vector<16x1xi32>
      %gather3A_662 = vector.shape_cast %broadcast_in_dim3A_661 : vector<16x1xi32> to vector<16xi32>
      %gather3A_663 = tpu.dynamic_gather %rev3A_579[%gather3A_662] in [0] : vector<16xf32>, vector<16xi32> -> vector<16xf32>
      %get3A_664 = arith.constant 21 : index
      %get3A_665 = tpu.vector_load %arg17[%get3A_664] {strides = array<i32>} : memref<128xf32, #tpu.memory_space<vmem>>, vector<16xf32>,
      %mul3A_666 = arith.mulf %gather3A_663, %get3A_665 : vector<16xf32>
      %add3A_667 = arith.addf %add3A_647, %mul3A_666 : vector<16xf32>
      %get3A_668 = arith.constant 37 : index
      %get3A_669 = tpu.vector_load %arg17[%get3A_668] {strides = array<i32>} : memref<128xf32, #tpu.memory_space<vmem>>, vector<16xf32>,
      %mul3A_670 = arith.mulf %gather3A_663, %get3A_669 : vector<16xf32>
      %add3A_671 = arith.addf %add3A_651, %mul3A_670 : vector<16xf32>
      %get3A_672 = arith.constant 53 : index
      %get3A_673 = tpu.vector_load %arg17[%get3A_672] {strides = array<i32>} : memref<128xf32, #tpu.memory_space<vmem>>, vector<16xf32>,
      %mul3A_674 = arith.mulf %gather3A_663, %get3A_673 : vector<16xf32>
      %add3A_675 = arith.addf %add3A_655, %mul3A_674 : vector<16xf32>
      %get3A_676 = arith.constant 69 : index
      %get3A_677 = tpu.vector_load %arg17[%get3A_676] {strides = array<i32>} : memref<128xf32, #tpu.memory_space<vmem>>, vector<16xf32>,
      %mul3A_678 = arith.mulf %gather3A_663, %get3A_677 : vector<16xf32>
      %add3A_679 = arith.addf %add3A_659, %mul3A_678 : vector<16xf32>
      %broadcast_in_dim3A_680 = arith.constant 5 : i32
      %broadcast_in_dim3A_681 = vector.broadcast %broadcast_in_dim3A_680 : i32 to vector<16x1xi32>
      %gather3A_682 = vector.shape_cast %broadcast_in_dim3A_681 : vector<16x1xi32> to vector<16xi32>
      %gather3A_683 = tpu.dynamic_gather %rev3A_579[%gather3A_682] in [0] : vector<16xf32>, vector<16xi32> -> vector<16xf32>
      %get3A_684 = arith.constant 22 : index
      %get3A_685 = tpu.vector_load %arg17[%get3A_684] {strides = array<i32>} : memref<128xf32, #tpu.memory_space<vmem>>, vector<16xf32>,
      %mul3A_686 = arith.mulf %gather3A_683, %get3A_685 : vector<16xf32>
      %add3A_687 = arith.addf %add3A_667, %mul3A_686 : vector<16xf32>
      %get3A_688 = arith.constant 38 : index
      %get3A_689 = tpu.vector_load %arg17[%get3A_688] {strides = array<i32>} : memref<128xf32, #tpu.memory_space<vmem>>, vector<16xf32>,
      %mul3A_690 = arith.mulf %gather3A_683, %get3A_689 : vector<16xf32>
      %add3A_691 = arith.addf %add3A_671, %mul3A_690 : vector<16xf32>
      %get3A_692 = arith.constant 54 : index
      %get3A_693 = tpu.vector_load %arg17[%get3A_692] {strides = array<i32>} : memref<128xf32, #tpu.memory_space<vmem>>, vector<16xf32>,
      %mul3A_694 = arith.mulf %gather3A_683, %get3A_693 : vector<16xf32>
      %add3A_695 = arith.addf %add3A_675, %mul3A_694 : vector<16xf32>
      %get3A_696 = arith.constant 70 : index
      %get3A_697 = tpu.vector_load %arg17[%get3A_696] {strides = array<i32>} : memref<128xf32, #tpu.memory_space<vmem>>, vector<16xf32>,
      %mul3A_698 = arith.mulf %gather3A_683, %get3A_697 : vector<16xf32>
      %add3A_699 = arith.addf %add3A_679, %mul3A_698 : vector<16xf32>
      %broadcast_in_dim3A_700 = arith.constant 6 : i32
      %broadcast_in_dim3A_701 = vector.broadcast %broadcast_in_dim3A_700 : i32 to vector<16x1xi32>
      %gather3A_702 = vector.shape_cast %broadcast_in_dim3A_701 : vector<16x1xi32> to vector<16xi32>
      %gather3A_703 = tpu.dynamic_gather %rev3A_579[%gather3A_702] in [0] : vector<16xf32>, vector<16xi32> -> vector<16xf32>
      %get3A_704 = arith.constant 23 : index
      %get3A_705 = tpu.vector_load %arg17[%get3A_704] {strides = array<i32>} : memref<128xf32, #tpu.memory_space<vmem>>, vector<16xf32>,
      %mul3A_706 = arith.mulf %gather3A_703, %get3A_705 : vector<16xf32>
      %add3A_707 = arith.addf %add3A_687, %mul3A_706 : vector<16xf32>
      %get3A_708 = arith.constant 39 : index
      %get3A_709 = tpu.vector_load %arg17[%get3A_708] {strides = array<i32>} : memref<128xf32, #tpu.memory_space<vmem>>, vector<16xf32>,
      %mul3A_710 = arith.mulf %gather3A_703, %get3A_709 : vector<16xf32>
      %add3A_711 = arith.addf %add3A_691, %mul3A_710 : vector<16xf32>
      %get3A_712 = arith.constant 55 : index
      %get3A_713 = tpu.vector_load %arg17[%get3A_712] {strides = array<i32>} : memref<128xf32, #tpu.memory_space<vmem>>, vector<16xf32>,
      %mul3A_714 = arith.mulf %gather3A_703, %get3A_713 : vector<16xf32>
      %add3A_715 = arith.addf %add3A_695, %mul3A_714 : vector<16xf32>
      %get3A_716 = arith.constant 71 : index
      %get3A_717 = tpu.vector_load %arg17[%get3A_716] {strides = array<i32>} : memref<128xf32, #tpu.memory_space<vmem>>, vector<16xf32>,
      %mul3A_718 = arith.mulf %gather3A_703, %get3A_717 : vector<16xf32>
      %add3A_719 = arith.addf %add3A_699, %mul3A_718 : vector<16xf32>
      %broadcast_in_dim3A_720 = arith.constant 7 : i32
      %broadcast_in_dim3A_721 = vector.broadcast %broadcast_in_dim3A_720 : i32 to vector<16x1xi32>
      %gather3A_722 = vector.shape_cast %broadcast_in_dim3A_721 : vector<16x1xi32> to vector<16xi32>
      %gather3A_723 = tpu.dynamic_gather %rev3A_579[%gather3A_722] in [0] : vector<16xf32>, vector<16xi32> -> vector<16xf32>
      %get3A_724 = arith.constant 24 : index
      %get3A_725 = tpu.vector_load %arg17[%get3A_724] {strides = array<i32>} : memref<128xf32, #tpu.memory_space<vmem>>, vector<16xf32>,
      %mul3A_726 = arith.mulf %gather3A_723, %get3A_725 : vector<16xf32>
      %add3A_727 = arith.addf %add3A_707, %mul3A_726 : vector<16xf32>
      %get3A_728 = arith.constant 40 : index
      %get3A_729 = tpu.vector_load %arg17[%get3A_728] {strides = array<i32>} : memref<128xf32, #tpu.memory_space<vmem>>, vector<16xf32>,
      %mul3A_730 = arith.mulf %gather3A_723, %get3A_729 : vector<16xf32>
      %add3A_731 = arith.addf %add3A_711, %mul3A_730 : vector<16xf32>
      %get3A_732 = arith.constant 56 : index
      %get3A_733 = tpu.vector_load %arg17[%get3A_732] {strides = array<i32>} : memref<128xf32, #tpu.memory_space<vmem>>, vector<16xf32>,
      %mul3A_734 = arith.mulf %gather3A_723, %get3A_733 : vector<16xf32>
      %add3A_735 = arith.addf %add3A_715, %mul3A_734 : vector<16xf32>
      %get3A_736 = arith.constant 72 : index
      %get3A_737 = tpu.vector_load %arg17[%get3A_736] {strides = array<i32>} : memref<128xf32, #tpu.memory_space<vmem>>, vector<16xf32>,
      %mul3A_738 = arith.mulf %gather3A_723, %get3A_737 : vector<16xf32>
      %add3A_739 = arith.addf %add3A_719, %mul3A_738 : vector<16xf32>
      %broadcast_in_dim3A_740 = arith.constant 8 : i32
      %broadcast_in_dim3A_741 = vector.broadcast %broadcast_in_dim3A_740 : i32 to vector<16x1xi32>
      %gather3A_742 = vector.shape_cast %broadcast_in_dim3A_741 : vector<16x1xi32> to vector<16xi32>
      %gather3A_743 = tpu.dynamic_gather %rev3A_579[%gather3A_742] in [0] : vector<16xf32>, vector<16xi32> -> vector<16xf32>
      %get3A_744 = arith.constant 25 : index
      %get3A_745 = tpu.vector_load %arg17[%get3A_744] {strides = array<i32>} : memref<128xf32, #tpu.memory_space<vmem>>, vector<16xf32>,
      %mul3A_746 = arith.mulf %gather3A_743, %get3A_745 : vector<16xf32>
      %add3A_747 = arith.addf %add3A_727, %mul3A_746 : vector<16xf32>
      %get3A_748 = arith.constant 41 : index
      %get3A_749 = tpu.vector_load %arg17[%get3A_748] {strides = array<i32>} : memref<128xf32, #tpu.memory_space<vmem>>, vector<16xf32>,
      %mul3A_750 = arith.mulf %gather3A_743, %get3A_749 : vector<16xf32>
      %add3A_751 = arith.addf %add3A_731, %mul3A_750 : vector<16xf32>
      %get3A_752 = arith.constant 57 : index
      %get3A_753 = tpu.vector_load %arg17[%get3A_752] {strides = array<i32>} : memref<128xf32, #tpu.memory_space<vmem>>, vector<16xf32>,
      %mul3A_754 = arith.mulf %gather3A_743, %get3A_753 : vector<16xf32>
      %add3A_755 = arith.addf %add3A_735, %mul3A_754 : vector<16xf32>
      %get3A_756 = arith.constant 73 : index
      %get3A_757 = tpu.vector_load %arg17[%get3A_756] {strides = array<i32>} : memref<128xf32, #tpu.memory_space<vmem>>, vector<16xf32>,
      %mul3A_758 = arith.mulf %gather3A_743, %get3A_757 : vector<16xf32>
      %add3A_759 = arith.addf %add3A_739, %mul3A_758 : vector<16xf32>
      %broadcast_in_dim3A_760 = arith.constant 9 : i32
      %broadcast_in_dim3A_761 = vector.broadcast %broadcast_in_dim3A_760 : i32 to vector<16x1xi32>
      %gather3A_762 = vector.shape_cast %broadcast_in_dim3A_761 : vector<16x1xi32> to vector<16xi32>
      %gather3A_763 = tpu.dynamic_gather %rev3A_579[%gather3A_762] in [0] : vector<16xf32>, vector<16xi32> -> vector<16xf32>
      %get3A_764 = arith.constant 26 : index
      %get3A_765 = tpu.vector_load %arg17[%get3A_764] {strides = array<i32>} : memref<128xf32, #tpu.memory_space<vmem>>, vector<16xf32>,
      %mul3A_766 = arith.mulf %gather3A_763, %get3A_765 : vector<16xf32>
      %add3A_767 = arith.addf %add3A_747, %mul3A_766 : vector<16xf32>
      %get3A_768 = arith.constant 42 : index
      %get3A_769 = tpu.vector_load %arg17[%get3A_768] {strides = array<i32>} : memref<128xf32, #tpu.memory_space<vmem>>, vector<16xf32>,
      %mul3A_770 = arith.mulf %gather3A_763, %get3A_769 : vector<16xf32>
      %add3A_771 = arith.addf %add3A_751, %mul3A_770 : vector<16xf32>
      %get3A_772 = arith.constant 58 : index
      %get3A_773 = tpu.vector_load %arg17[%get3A_772] {strides = array<i32>} : memref<128xf32, #tpu.memory_space<vmem>>, vector<16xf32>,
      %mul3A_774 = arith.mulf %gather3A_763, %get3A_773 : vector<16xf32>
      %add3A_775 = arith.addf %add3A_755, %mul3A_774 : vector<16xf32>
      %get3A_776 = arith.constant 74 : index
      %get3A_777 = tpu.vector_load %arg17[%get3A_776] {strides = array<i32>} : memref<128xf32, #tpu.memory_space<vmem>>, vector<16xf32>,
      %mul3A_778 = arith.mulf %gather3A_763, %get3A_777 : vector<16xf32>
      %add3A_779 = arith.addf %add3A_759, %mul3A_778 : vector<16xf32>
      %broadcast_in_dim3A_780 = arith.constant 10 : i32
      %broadcast_in_dim3A_781 = vector.broadcast %broadcast_in_dim3A_780 : i32 to vector<16x1xi32>
      %gather3A_782 = vector.shape_cast %broadcast_in_dim3A_781 : vector<16x1xi32> to vector<16xi32>
      %gather3A_783 = tpu.dynamic_gather %rev3A_579[%gather3A_782] in [0] : vector<16xf32>, vector<16xi32> -> vector<16xf32>
      %get3A_784 = arith.constant 27 : index
      %get3A_785 = tpu.vector_load %arg17[%get3A_784] {strides = array<i32>} : memref<128xf32, #tpu.memory_space<vmem>>, vector<16xf32>,
      %mul3A_786 = arith.mulf %gather3A_783, %get3A_785 : vector<16xf32>
      %add3A_787 = arith.addf %add3A_767, %mul3A_786 : vector<16xf32>
      %get3A_788 = arith.constant 43 : index
      %get3A_789 = tpu.vector_load %arg17[%get3A_788] {strides = array<i32>} : memref<128xf32, #tpu.memory_space<vmem>>, vector<16xf32>,
      %mul3A_790 = arith.mulf %gather3A_783, %get3A_789 : vector<16xf32>
      %add3A_791 = arith.addf %add3A_771, %mul3A_790 : vector<16xf32>
      %get3A_792 = arith.constant 59 : index
      %get3A_793 = tpu.vector_load %arg17[%get3A_792] {strides = array<i32>} : memref<128xf32, #tpu.memory_space<vmem>>, vector<16xf32>,
      %mul3A_794 = arith.mulf %gather3A_783, %get3A_793 : vector<16xf32>
      %add3A_795 = arith.addf %add3A_775, %mul3A_794 : vector<16xf32>
      %get3A_796 = arith.constant 75 : index
      %get3A_797 = tpu.vector_load %arg17[%get3A_796] {strides = array<i32>} : memref<128xf32, #tpu.memory_space<vmem>>, vector<16xf32>,
      %mul3A_798 = arith.mulf %gather3A_783, %get3A_797 : vector<16xf32>
      %add3A_799 = arith.addf %add3A_779, %mul3A_798 : vector<16xf32>
      %broadcast_in_dim3A_800 = arith.constant 11 : i32
      %broadcast_in_dim3A_801 = vector.broadcast %broadcast_in_dim3A_800 : i32 to vector<16x1xi32>
      %gather3A_802 = vector.shape_cast %broadcast_in_dim3A_801 : vector<16x1xi32> to vector<16xi32>
      %gather3A_803 = tpu.dynamic_gather %rev3A_579[%gather3A_802] in [0] : vector<16xf32>, vector<16xi32> -> vector<16xf32>
      %get3A_804 = arith.constant 28 : index
      %get3A_805 = tpu.vector_load %arg17[%get3A_804] {strides = array<i32>} : memref<128xf32, #tpu.memory_space<vmem>>, vector<16xf32>,
      %mul3A_806 = arith.mulf %gather3A_803, %get3A_805 : vector<16xf32>
      %add3A_807 = arith.addf %add3A_787, %mul3A_806 : vector<16xf32>
      %get3A_808 = arith.constant 44 : index
      %get3A_809 = tpu.vector_load %arg17[%get3A_808] {strides = array<i32>} : memref<128xf32, #tpu.memory_space<vmem>>, vector<16xf32>,
      %mul3A_810 = arith.mulf %gather3A_803, %get3A_809 : vector<16xf32>
      %add3A_811 = arith.addf %add3A_791, %mul3A_810 : vector<16xf32>
      %get3A_812 = arith.constant 60 : index
      %get3A_813 = tpu.vector_load %arg17[%get3A_812] {strides = array<i32>} : memref<128xf32, #tpu.memory_space<vmem>>, vector<16xf32>,
      %mul3A_814 = arith.mulf %gather3A_803, %get3A_813 : vector<16xf32>
      %add3A_815 = arith.addf %add3A_795, %mul3A_814 : vector<16xf32>
      %get3A_816 = arith.constant 76 : index
      %get3A_817 = tpu.vector_load %arg17[%get3A_816] {strides = array<i32>} : memref<128xf32, #tpu.memory_space<vmem>>, vector<16xf32>,
      %mul3A_818 = arith.mulf %gather3A_803, %get3A_817 : vector<16xf32>
      %add3A_819 = arith.addf %add3A_799, %mul3A_818 : vector<16xf32>
      %broadcast_in_dim3A_820 = arith.constant 12 : i32
      %broadcast_in_dim3A_821 = vector.broadcast %broadcast_in_dim3A_820 : i32 to vector<16x1xi32>
      %gather3A_822 = vector.shape_cast %broadcast_in_dim3A_821 : vector<16x1xi32> to vector<16xi32>
      %gather3A_823 = tpu.dynamic_gather %rev3A_579[%gather3A_822] in [0] : vector<16xf32>, vector<16xi32> -> vector<16xf32>
      %get3A_824 = arith.constant 29 : index
      %get3A_825 = tpu.vector_load %arg17[%get3A_824] {strides = array<i32>} : memref<128xf32, #tpu.memory_space<vmem>>, vector<16xf32>,
      %mul3A_826 = arith.mulf %gather3A_823, %get3A_825 : vector<16xf32>
      %add3A_827 = arith.addf %add3A_807, %mul3A_826 : vector<16xf32>
      %get3A_828 = arith.constant 45 : index
      %get3A_829 = tpu.vector_load %arg17[%get3A_828] {strides = array<i32>} : memref<128xf32, #tpu.memory_space<vmem>>, vector<16xf32>,
      %mul3A_830 = arith.mulf %gather3A_823, %get3A_829 : vector<16xf32>
      %add3A_831 = arith.addf %add3A_811, %mul3A_830 : vector<16xf32>
      %get3A_832 = arith.constant 61 : index
      %get3A_833 = tpu.vector_load %arg17[%get3A_832] {strides = array<i32>} : memref<128xf32, #tpu.memory_space<vmem>>, vector<16xf32>,
      %mul3A_834 = arith.mulf %gather3A_823, %get3A_833 : vector<16xf32>
      %add3A_835 = arith.addf %add3A_815, %mul3A_834 : vector<16xf32>
      %get3A_836 = arith.constant 77 : index
      %get3A_837 = tpu.vector_load %arg17[%get3A_836] {strides = array<i32>} : memref<128xf32, #tpu.memory_space<vmem>>, vector<16xf32>,
      %mul3A_838 = arith.mulf %gather3A_823, %get3A_837 : vector<16xf32>
      %add3A_839 = arith.addf %add3A_819, %mul3A_838 : vector<16xf32>
      %broadcast_in_dim3A_840 = arith.constant 13 : i32
      %broadcast_in_dim3A_841 = vector.broadcast %broadcast_in_dim3A_840 : i32 to vector<16x1xi32>
      %gather3A_842 = vector.shape_cast %broadcast_in_dim3A_841 : vector<16x1xi32> to vector<16xi32>
      %gather3A_843 = tpu.dynamic_gather %rev3A_579[%gather3A_842] in [0] : vector<16xf32>, vector<16xi32> -> vector<16xf32>
      %get3A_844 = arith.constant 30 : index
      %get3A_845 = tpu.vector_load %arg17[%get3A_844] {strides = array<i32>} : memref<128xf32, #tpu.memory_space<vmem>>, vector<16xf32>,
      %mul3A_846 = arith.mulf %gather3A_843, %get3A_845 : vector<16xf32>
      %add3A_847 = arith.addf %add3A_827, %mul3A_846 : vector<16xf32>
      %get3A_848 = arith.constant 46 : index
      %get3A_849 = tpu.vector_load %arg17[%get3A_848] {strides = array<i32>} : memref<128xf32, #tpu.memory_space<vmem>>, vector<16xf32>,
      %mul3A_850 = arith.mulf %gather3A_843, %get3A_849 : vector<16xf32>
      %add3A_851 = arith.addf %add3A_831, %mul3A_850 : vector<16xf32>
      %get3A_852 = arith.constant 62 : index
      %get3A_853 = tpu.vector_load %arg17[%get3A_852] {strides = array<i32>} : memref<128xf32, #tpu.memory_space<vmem>>, vector<16xf32>,
      %mul3A_854 = arith.mulf %gather3A_843, %get3A_853 : vector<16xf32>
      %add3A_855 = arith.addf %add3A_835, %mul3A_854 : vector<16xf32>
      %get3A_856 = arith.constant 78 : index
      %get3A_857 = tpu.vector_load %arg17[%get3A_856] {strides = array<i32>} : memref<128xf32, #tpu.memory_space<vmem>>, vector<16xf32>,
      %mul3A_858 = arith.mulf %gather3A_843, %get3A_857 : vector<16xf32>
      %add3A_859 = arith.addf %add3A_839, %mul3A_858 : vector<16xf32>
      %broadcast_in_dim3A_860 = arith.constant 14 : i32
      %broadcast_in_dim3A_861 = vector.broadcast %broadcast_in_dim3A_860 : i32 to vector<16x1xi32>
      %gather3A_862 = vector.shape_cast %broadcast_in_dim3A_861 : vector<16x1xi32> to vector<16xi32>
      %gather3A_863 = tpu.dynamic_gather %rev3A_579[%gather3A_862] in [0] : vector<16xf32>, vector<16xi32> -> vector<16xf32>
      %get3A_864 = arith.constant 31 : index
      %get3A_865 = tpu.vector_load %arg17[%get3A_864] {strides = array<i32>} : memref<128xf32, #tpu.memory_space<vmem>>, vector<16xf32>,
      %mul3A_866 = arith.mulf %gather3A_863, %get3A_865 : vector<16xf32>
      %add3A_867 = arith.addf %add3A_847, %mul3A_866 : vector<16xf32>
      %get3A_868 = arith.constant 47 : index
      %get3A_869 = tpu.vector_load %arg17[%get3A_868] {strides = array<i32>} : memref<128xf32, #tpu.memory_space<vmem>>, vector<16xf32>,
      %mul3A_870 = arith.mulf %gather3A_863, %get3A_869 : vector<16xf32>
      %add3A_871 = arith.addf %add3A_851, %mul3A_870 : vector<16xf32>
      %get3A_872 = arith.constant 63 : index
      %get3A_873 = tpu.vector_load %arg17[%get3A_872] {strides = array<i32>} : memref<128xf32, #tpu.memory_space<vmem>>, vector<16xf32>,
      %mul3A_874 = arith.mulf %gather3A_863, %get3A_873 : vector<16xf32>
      %add3A_875 = arith.addf %add3A_855, %mul3A_874 : vector<16xf32>
      %get3A_876 = arith.constant 79 : index
      %get3A_877 = tpu.vector_load %arg17[%get3A_876] {strides = array<i32>} : memref<128xf32, #tpu.memory_space<vmem>>, vector<16xf32>,
      %mul3A_878 = arith.mulf %gather3A_863, %get3A_877 : vector<16xf32>
      %add3A_879 = arith.addf %add3A_859, %mul3A_878 : vector<16xf32>
      %broadcast_in_dim3A_880 = arith.constant 15 : i32
      %broadcast_in_dim3A_881 = vector.broadcast %broadcast_in_dim3A_880 : i32 to vector<16x1xi32>
      %gather3A_882 = vector.shape_cast %broadcast_in_dim3A_881 : vector<16x1xi32> to vector<16xi32>
      %gather3A_883 = tpu.dynamic_gather %rev3A_579[%gather3A_882] in [0] : vector<16xf32>, vector<16xi32> -> vector<16xf32>
      %get3A_884 = arith.constant 32 : index
      %get3A_885 = tpu.vector_load %arg17[%get3A_884] {strides = array<i32>} : memref<128xf32, #tpu.memory_space<vmem>>, vector<16xf32>,
      %mul3A_886 = arith.mulf %gather3A_883, %get3A_885 : vector<16xf32>
      %add3A_887 = arith.addf %add3A_867, %mul3A_886 : vector<16xf32>
      %get3A_888 = arith.constant 48 : index
      %get3A_889 = tpu.vector_load %arg17[%get3A_888] {strides = array<i32>} : memref<128xf32, #tpu.memory_space<vmem>>, vector<16xf32>,
      %mul3A_890 = arith.mulf %gather3A_883, %get3A_889 : vector<16xf32>
      %add3A_891 = arith.addf %add3A_871, %mul3A_890 : vector<16xf32>
      %get3A_892 = arith.constant 64 : index
      %get3A_893 = tpu.vector_load %arg17[%get3A_892] {strides = array<i32>} : memref<128xf32, #tpu.memory_space<vmem>>, vector<16xf32>,
      %mul3A_894 = arith.mulf %gather3A_883, %get3A_893 : vector<16xf32>
      %add3A_895 = arith.addf %add3A_875, %mul3A_894 : vector<16xf32>
      %get3A_896 = arith.constant 80 : index
      %get3A_897 = tpu.vector_load %arg17[%get3A_896] {strides = array<i32>} : memref<128xf32, #tpu.memory_space<vmem>>, vector<16xf32>,
      %mul3A_898 = arith.mulf %gather3A_883, %get3A_897 : vector<16xf32>
      %add3A_899 = arith.addf %add3A_879, %mul3A_898 : vector<16xf32>
      %rev3A_900 = arith.constant 15 : i32
      %rev3A_901 = vector.broadcast %rev3A_900 : i32 to vector<16xi32>
      %rev3A_902 = tpu.iota {dimensions = array<i32: 0>} : vector<16xi32>
      %rev3A_903 = arith.subi %rev3A_901, %rev3A_902 : vector<16xi32>
      %rev3A_904 = tpu.dynamic_gather %add3A_226[%rev3A_903] in [0] : vector<16xf32>, vector<16xi32> -> vector<16xf32>
      %broadcast_in_dim3A_905 = arith.constant 0 : i32
      %broadcast_in_dim3A_906 = vector.broadcast %broadcast_in_dim3A_905 : i32 to vector<16x1xi32>
      %gather3A_907 = vector.shape_cast %broadcast_in_dim3A_906 : vector<16x1xi32> to vector<16xi32>
      %gather3A_908 = tpu.dynamic_gather %rev3A_904[%gather3A_907] in [0] : vector<16xf32>, vector<16xi32> -> vector<16xf32>
      %get3A_909 = arith.constant 33 : index
      %get3A_910 = tpu.vector_load %arg17[%get3A_909] {strides = array<i32>} : memref<128xf32, #tpu.memory_space<vmem>>, vector<16xf32>,
      %mul3A_911 = arith.mulf %gather3A_908, %get3A_910 : vector<16xf32>
      %add3A_912 = arith.addf %add3A_887, %mul3A_911 : vector<16xf32>
      %get3A_913 = arith.constant 49 : index
      %get3A_914 = tpu.vector_load %arg17[%get3A_913] {strides = array<i32>} : memref<128xf32, #tpu.memory_space<vmem>>, vector<16xf32>,
      %mul3A_915 = arith.mulf %gather3A_908, %get3A_914 : vector<16xf32>
      %add3A_916 = arith.addf %add3A_891, %mul3A_915 : vector<16xf32>
      %get3A_917 = arith.constant 65 : index
      %get3A_918 = tpu.vector_load %arg17[%get3A_917] {strides = array<i32>} : memref<128xf32, #tpu.memory_space<vmem>>, vector<16xf32>,
      %mul3A_919 = arith.mulf %gather3A_908, %get3A_918 : vector<16xf32>
      %add3A_920 = arith.addf %add3A_895, %mul3A_919 : vector<16xf32>
      %get3A_921 = arith.constant 81 : index
      %get3A_922 = tpu.vector_load %arg17[%get3A_921] {strides = array<i32>} : memref<128xf32, #tpu.memory_space<vmem>>, vector<16xf32>,
      %mul3A_923 = arith.mulf %gather3A_908, %get3A_922 : vector<16xf32>
      %add3A_924 = arith.addf %add3A_899, %mul3A_923 : vector<16xf32>
      %broadcast_in_dim3A_925 = arith.constant 1 : i32
      %broadcast_in_dim3A_926 = vector.broadcast %broadcast_in_dim3A_925 : i32 to vector<16x1xi32>
      %gather3A_927 = vector.shape_cast %broadcast_in_dim3A_926 : vector<16x1xi32> to vector<16xi32>
      %gather3A_928 = tpu.dynamic_gather %rev3A_904[%gather3A_927] in [0] : vector<16xf32>, vector<16xi32> -> vector<16xf32>
      %get3A_929 = arith.constant 34 : index
      %get3A_930 = tpu.vector_load %arg17[%get3A_929] {strides = array<i32>} : memref<128xf32, #tpu.memory_space<vmem>>, vector<16xf32>,
      %mul3A_931 = arith.mulf %gather3A_928, %get3A_930 : vector<16xf32>
      %add3A_932 = arith.addf %add3A_912, %mul3A_931 : vector<16xf32>
      %get3A_933 = arith.constant 50 : index
      %get3A_934 = tpu.vector_load %arg17[%get3A_933] {strides = array<i32>} : memref<128xf32, #tpu.memory_space<vmem>>, vector<16xf32>,
      %mul3A_935 = arith.mulf %gather3A_928, %get3A_934 : vector<16xf32>
      %add3A_936 = arith.addf %add3A_916, %mul3A_935 : vector<16xf32>
      %get3A_937 = arith.constant 66 : index
      %get3A_938 = tpu.vector_load %arg17[%get3A_937] {strides = array<i32>} : memref<128xf32, #tpu.memory_space<vmem>>, vector<16xf32>,
      %mul3A_939 = arith.mulf %gather3A_928, %get3A_938 : vector<16xf32>
      %add3A_940 = arith.addf %add3A_920, %mul3A_939 : vector<16xf32>
      %get3A_941 = arith.constant 82 : index
      %get3A_942 = tpu.vector_load %arg17[%get3A_941] {strides = array<i32>} : memref<128xf32, #tpu.memory_space<vmem>>, vector<16xf32>,
      %mul3A_943 = arith.mulf %gather3A_928, %get3A_942 : vector<16xf32>
      %add3A_944 = arith.addf %add3A_924, %mul3A_943 : vector<16xf32>
      %broadcast_in_dim3A_945 = arith.constant 2 : i32
      %broadcast_in_dim3A_946 = vector.broadcast %broadcast_in_dim3A_945 : i32 to vector<16x1xi32>
      %gather3A_947 = vector.shape_cast %broadcast_in_dim3A_946 : vector<16x1xi32> to vector<16xi32>
      %gather3A_948 = tpu.dynamic_gather %rev3A_904[%gather3A_947] in [0] : vector<16xf32>, vector<16xi32> -> vector<16xf32>
      %get3A_949 = arith.constant 35 : index
      %get3A_950 = tpu.vector_load %arg17[%get3A_949] {strides = array<i32>} : memref<128xf32, #tpu.memory_space<vmem>>, vector<16xf32>,
      %mul3A_951 = arith.mulf %gather3A_948, %get3A_950 : vector<16xf32>
      %add3A_952 = arith.addf %add3A_932, %mul3A_951 : vector<16xf32>
      %get3A_953 = arith.constant 51 : index
      %get3A_954 = tpu.vector_load %arg17[%get3A_953] {strides = array<i32>} : memref<128xf32, #tpu.memory_space<vmem>>, vector<16xf32>,
      %mul3A_955 = arith.mulf %gather3A_948, %get3A_954 : vector<16xf32>
      %add3A_956 = arith.addf %add3A_936, %mul3A_955 : vector<16xf32>
      %get3A_957 = arith.constant 67 : index
      %get3A_958 = tpu.vector_load %arg17[%get3A_957] {strides = array<i32>} : memref<128xf32, #tpu.memory_space<vmem>>, vector<16xf32>,
      %mul3A_959 = arith.mulf %gather3A_948, %get3A_958 : vector<16xf32>
      %add3A_960 = arith.addf %add3A_940, %mul3A_959 : vector<16xf32>
      %get3A_961 = arith.constant 83 : index
      %get3A_962 = tpu.vector_load %arg17[%get3A_961] {strides = array<i32>} : memref<128xf32, #tpu.memory_space<vmem>>, vector<16xf32>,
      %mul3A_963 = arith.mulf %gather3A_948, %get3A_962 : vector<16xf32>
      %add3A_964 = arith.addf %add3A_944, %mul3A_963 : vector<16xf32>
      %broadcast_in_dim3A_965 = arith.constant 3 : i32
      %broadcast_in_dim3A_966 = vector.broadcast %broadcast_in_dim3A_965 : i32 to vector<16x1xi32>
      %gather3A_967 = vector.shape_cast %broadcast_in_dim3A_966 : vector<16x1xi32> to vector<16xi32>
      %gather3A_968 = tpu.dynamic_gather %rev3A_904[%gather3A_967] in [0] : vector<16xf32>, vector<16xi32> -> vector<16xf32>
      %get3A_969 = arith.constant 36 : index
      %get3A_970 = tpu.vector_load %arg17[%get3A_969] {strides = array<i32>} : memref<128xf32, #tpu.memory_space<vmem>>, vector<16xf32>,
      %mul3A_971 = arith.mulf %gather3A_968, %get3A_970 : vector<16xf32>
      %add3A_972 = arith.addf %add3A_952, %mul3A_971 : vector<16xf32>
      %get3A_973 = arith.constant 52 : index
      %get3A_974 = tpu.vector_load %arg17[%get3A_973] {strides = array<i32>} : memref<128xf32, #tpu.memory_space<vmem>>, vector<16xf32>,
      %mul3A_975 = arith.mulf %gather3A_968, %get3A_974 : vector<16xf32>
      %add3A_976 = arith.addf %add3A_956, %mul3A_975 : vector<16xf32>
      %get3A_977 = arith.constant 68 : index
      %get3A_978 = tpu.vector_load %arg17[%get3A_977] {strides = array<i32>} : memref<128xf32, #tpu.memory_space<vmem>>, vector<16xf32>,
      %mul3A_979 = arith.mulf %gather3A_968, %get3A_978 : vector<16xf32>
      %add3A_980 = arith.addf %add3A_960, %mul3A_979 : vector<16xf32>
      %get3A_981 = arith.constant 84 : index
      %get3A_982 = tpu.vector_load %arg17[%get3A_981] {strides = array<i32>} : memref<128xf32, #tpu.memory_space<vmem>>, vector<16xf32>,
      %mul3A_983 = arith.mulf %gather3A_968, %get3A_982 : vector<16xf32>
      %add3A_984 = arith.addf %add3A_964, %mul3A_983 : vector<16xf32>
      %broadcast_in_dim3A_985 = arith.constant 4 : i32
      %broadcast_in_dim3A_986 = vector.broadcast %broadcast_in_dim3A_985 : i32 to vector<16x1xi32>
      %gather3A_987 = vector.shape_cast %broadcast_in_dim3A_986 : vector<16x1xi32> to vector<16xi32>
      %gather3A_988 = tpu.dynamic_gather %rev3A_904[%gather3A_987] in [0] : vector<16xf32>, vector<16xi32> -> vector<16xf32>
      %get3A_989 = arith.constant 37 : index
      %get3A_990 = tpu.vector_load %arg17[%get3A_989] {strides = array<i32>} : memref<128xf32, #tpu.memory_space<vmem>>, vector<16xf32>,
      %mul3A_991 = arith.mulf %gather3A_988, %get3A_990 : vector<16xf32>
      %add3A_992 = arith.addf %add3A_972, %mul3A_991 : vector<16xf32>
      %get3A_993 = arith.constant 53 : index
      %get3A_994 = tpu.vector_load %arg17[%get3A_993] {strides = array<i32>} : memref<128xf32, #tpu.memory_space<vmem>>, vector<16xf32>,
      %mul3A_995 = arith.mulf %gather3A_988, %get3A_994 : vector<16xf32>
      %add3A_996 = arith.addf %add3A_976, %mul3A_995 : vector<16xf32>
      %get3A_997 = arith.constant 69 : index
      %get3A_998 = tpu.vector_load %arg17[%get3A_997] {strides = array<i32>} : memref<128xf32, #tpu.memory_space<vmem>>, vector<16xf32>,
      %mul3A_999 = arith.mulf %gather3A_988, %get3A_998 : vector<16xf32>
      %add3A_1000 = arith.addf %add3A_980, %mul3A_999 : vector<16xf32>
      %get3A_1001 = arith.constant 85 : index
      %get3A_1002 = tpu.vector_load %arg17[%get3A_1001] {strides = array<i32>} : memref<128xf32, #tpu.memory_space<vmem>>, vector<16xf32>,
      %mul3A_1003 = arith.mulf %gather3A_988, %get3A_1002 : vector<16xf32>
      %add3A_1004 = arith.addf %add3A_984, %mul3A_1003 : vector<16xf32>
      %broadcast_in_dim3A_1005 = arith.constant 5 : i32
      %broadcast_in_dim3A_1006 = vector.broadcast %broadcast_in_dim3A_1005 : i32 to vector<16x1xi32>
      %gather3A_1007 = vector.shape_cast %broadcast_in_dim3A_1006 : vector<16x1xi32> to vector<16xi32>
      %gather3A_1008 = tpu.dynamic_gather %rev3A_904[%gather3A_1007] in [0] : vector<16xf32>, vector<16xi32> -> vector<16xf32>
      %get3A_1009 = arith.constant 38 : index
      %get3A_1010 = tpu.vector_load %arg17[%get3A_1009] {strides = array<i32>} : memref<128xf32, #tpu.memory_space<vmem>>, vector<16xf32>,
      %mul3A_1011 = arith.mulf %gather3A_1008, %get3A_1010 : vector<16xf32>
      %add3A_1012 = arith.addf %add3A_992, %mul3A_1011 : vector<16xf32>
      %get3A_1013 = arith.constant 54 : index
      %get3A_1014 = tpu.vector_load %arg17[%get3A_1013] {strides = array<i32>} : memref<128xf32, #tpu.memory_space<vmem>>, vector<16xf32>,
      %mul3A_1015 = arith.mulf %gather3A_1008, %get3A_1014 : vector<16xf32>
      %add3A_1016 = arith.addf %add3A_996, %mul3A_1015 : vector<16xf32>
      %get3A_1017 = arith.constant 70 : index
      %get3A_1018 = tpu.vector_load %arg17[%get3A_1017] {strides = array<i32>} : memref<128xf32, #tpu.memory_space<vmem>>, vector<16xf32>,
      %mul3A_1019 = arith.mulf %gather3A_1008, %get3A_1018 : vector<16xf32>
      %add3A_1020 = arith.addf %add3A_1000, %mul3A_1019 : vector<16xf32>
      %get3A_1021 = arith.constant 86 : index
      %get3A_1022 = tpu.vector_load %arg17[%get3A_1021] {strides = array<i32>} : memref<128xf32, #tpu.memory_space<vmem>>, vector<16xf32>,
      %mul3A_1023 = arith.mulf %gather3A_1008, %get3A_1022 : vector<16xf32>
      %add3A_1024 = arith.addf %add3A_1004, %mul3A_1023 : vector<16xf32>
      %broadcast_in_dim3A_1025 = arith.constant 6 : i32
      %broadcast_in_dim3A_1026 = vector.broadcast %broadcast_in_dim3A_1025 : i32 to vector<16x1xi32>
      %gather3A_1027 = vector.shape_cast %broadcast_in_dim3A_1026 : vector<16x1xi32> to vector<16xi32>
      %gather3A_1028 = tpu.dynamic_gather %rev3A_904[%gather3A_1027] in [0] : vector<16xf32>, vector<16xi32> -> vector<16xf32>
      %get3A_1029 = arith.constant 39 : index
      %get3A_1030 = tpu.vector_load %arg17[%get3A_1029] {strides = array<i32>} : memref<128xf32, #tpu.memory_space<vmem>>, vector<16xf32>,
      %mul3A_1031 = arith.mulf %gather3A_1028, %get3A_1030 : vector<16xf32>
      %add3A_1032 = arith.addf %add3A_1012, %mul3A_1031 : vector<16xf32>
      %get3A_1033 = arith.constant 55 : index
      %get3A_1034 = tpu.vector_load %arg17[%get3A_1033] {strides = array<i32>} : memref<128xf32, #tpu.memory_space<vmem>>, vector<16xf32>,
      %mul3A_1035 = arith.mulf %gather3A_1028, %get3A_1034 : vector<16xf32>
      %add3A_1036 = arith.addf %add3A_1016, %mul3A_1035 : vector<16xf32>
      %get3A_1037 = arith.constant 71 : index
      %get3A_1038 = tpu.vector_load %arg17[%get3A_1037] {strides = array<i32>} : memref<128xf32, #tpu.memory_space<vmem>>, vector<16xf32>,
      %mul3A_1039 = arith.mulf %gather3A_1028, %get3A_1038 : vector<16xf32>
      %add3A_1040 = arith.addf %add3A_1020, %mul3A_1039 : vector<16xf32>
      %get3A_1041 = arith.constant 87 : index
      %get3A_1042 = tpu.vector_load %arg17[%get3A_1041] {strides = array<i32>} : memref<128xf32, #tpu.memory_space<vmem>>, vector<16xf32>,
      %mul3A_1043 = arith.mulf %gather3A_1028, %get3A_1042 : vector<16xf32>
      %add3A_1044 = arith.addf %add3A_1024, %mul3A_1043 : vector<16xf32>
      %broadcast_in_dim3A_1045 = arith.constant 7 : i32
      %broadcast_in_dim3A_1046 = vector.broadcast %broadcast_in_dim3A_1045 : i32 to vector<16x1xi32>
      %gather3A_1047 = vector.shape_cast %broadcast_in_dim3A_1046 : vector<16x1xi32> to vector<16xi32>
      %gather3A_1048 = tpu.dynamic_gather %rev3A_904[%gather3A_1047] in [0] : vector<16xf32>, vector<16xi32> -> vector<16xf32>
      %get3A_1049 = arith.constant 40 : index
      %get3A_1050 = tpu.vector_load %arg17[%get3A_1049] {strides = array<i32>} : memref<128xf32, #tpu.memory_space<vmem>>, vector<16xf32>,
      %mul3A_1051 = arith.mulf %gather3A_1048, %get3A_1050 : vector<16xf32>
      %add3A_1052 = arith.addf %add3A_1032, %mul3A_1051 : vector<16xf32>
      %get3A_1053 = arith.constant 56 : index
      %get3A_1054 = tpu.vector_load %arg17[%get3A_1053] {strides = array<i32>} : memref<128xf32, #tpu.memory_space<vmem>>, vector<16xf32>,
      %mul3A_1055 = arith.mulf %gather3A_1048, %get3A_1054 : vector<16xf32>
      %add3A_1056 = arith.addf %add3A_1036, %mul3A_1055 : vector<16xf32>
      %get3A_1057 = arith.constant 72 : index
      %get3A_1058 = tpu.vector_load %arg17[%get3A_1057] {strides = array<i32>} : memref<128xf32, #tpu.memory_space<vmem>>, vector<16xf32>,
      %mul3A_1059 = arith.mulf %gather3A_1048, %get3A_1058 : vector<16xf32>
      %add3A_1060 = arith.addf %add3A_1040, %mul3A_1059 : vector<16xf32>
      %get3A_1061 = arith.constant 88 : index
      %get3A_1062 = tpu.vector_load %arg17[%get3A_1061] {strides = array<i32>} : memref<128xf32, #tpu.memory_space<vmem>>, vector<16xf32>,
      %mul3A_1063 = arith.mulf %gather3A_1048, %get3A_1062 : vector<16xf32>
      %add3A_1064 = arith.addf %add3A_1044, %mul3A_1063 : vector<16xf32>
      %broadcast_in_dim3A_1065 = arith.constant 8 : i32
      %broadcast_in_dim3A_1066 = vector.broadcast %broadcast_in_dim3A_1065 : i32 to vector<16x1xi32>
      %gather3A_1067 = vector.shape_cast %broadcast_in_dim3A_1066 : vector<16x1xi32> to vector<16xi32>
      %gather3A_1068 = tpu.dynamic_gather %rev3A_904[%gather3A_1067] in [0] : vector<16xf32>, vector<16xi32> -> vector<16xf32>
      %get3A_1069 = arith.constant 41 : index
      %get3A_1070 = tpu.vector_load %arg17[%get3A_1069] {strides = array<i32>} : memref<128xf32, #tpu.memory_space<vmem>>, vector<16xf32>,
      %mul3A_1071 = arith.mulf %gather3A_1068, %get3A_1070 : vector<16xf32>
      %add3A_1072 = arith.addf %add3A_1052, %mul3A_1071 : vector<16xf32>
      %get3A_1073 = arith.constant 57 : index
      %get3A_1074 = tpu.vector_load %arg17[%get3A_1073] {strides = array<i32>} : memref<128xf32, #tpu.memory_space<vmem>>, vector<16xf32>,
      %mul3A_1075 = arith.mulf %gather3A_1068, %get3A_1074 : vector<16xf32>
      %add3A_1076 = arith.addf %add3A_1056, %mul3A_1075 : vector<16xf32>
      %get3A_1077 = arith.constant 73 : index
      %get3A_1078 = tpu.vector_load %arg17[%get3A_1077] {strides = array<i32>} : memref<128xf32, #tpu.memory_space<vmem>>, vector<16xf32>,
      %mul3A_1079 = arith.mulf %gather3A_1068, %get3A_1078 : vector<16xf32>
      %add3A_1080 = arith.addf %add3A_1060, %mul3A_1079 : vector<16xf32>
      %get3A_1081 = arith.constant 89 : index
      %get3A_1082 = tpu.vector_load %arg17[%get3A_1081] {strides = array<i32>} : memref<128xf32, #tpu.memory_space<vmem>>, vector<16xf32>,
      %mul3A_1083 = arith.mulf %gather3A_1068, %get3A_1082 : vector<16xf32>
      %add3A_1084 = arith.addf %add3A_1064, %mul3A_1083 : vector<16xf32>
      %broadcast_in_dim3A_1085 = arith.constant 9 : i32
      %broadcast_in_dim3A_1086 = vector.broadcast %broadcast_in_dim3A_1085 : i32 to vector<16x1xi32>
      %gather3A_1087 = vector.shape_cast %broadcast_in_dim3A_1086 : vector<16x1xi32> to vector<16xi32>
      %gather3A_1088 = tpu.dynamic_gather %rev3A_904[%gather3A_1087] in [0] : vector<16xf32>, vector<16xi32> -> vector<16xf32>
      %get3A_1089 = arith.constant 42 : index
      %get3A_1090 = tpu.vector_load %arg17[%get3A_1089] {strides = array<i32>} : memref<128xf32, #tpu.memory_space<vmem>>, vector<16xf32>,
      %mul3A_1091 = arith.mulf %gather3A_1088, %get3A_1090 : vector<16xf32>
      %add3A_1092 = arith.addf %add3A_1072, %mul3A_1091 : vector<16xf32>
      %get3A_1093 = arith.constant 58 : index
      %get3A_1094 = tpu.vector_load %arg17[%get3A_1093] {strides = array<i32>} : memref<128xf32, #tpu.memory_space<vmem>>, vector<16xf32>,
      %mul3A_1095 = arith.mulf %gather3A_1088, %get3A_1094 : vector<16xf32>
      %add3A_1096 = arith.addf %add3A_1076, %mul3A_1095 : vector<16xf32>
      %get3A_1097 = arith.constant 74 : index
      %get3A_1098 = tpu.vector_load %arg17[%get3A_1097] {strides = array<i32>} : memref<128xf32, #tpu.memory_space<vmem>>, vector<16xf32>,
      %mul3A_1099 = arith.mulf %gather3A_1088, %get3A_1098 : vector<16xf32>
      %add3A_1100 = arith.addf %add3A_1080, %mul3A_1099 : vector<16xf32>
      %get3A_1101 = arith.constant 90 : index
      %get3A_1102 = tpu.vector_load %arg17[%get3A_1101] {strides = array<i32>} : memref<128xf32, #tpu.memory_space<vmem>>, vector<16xf32>,
      %mul3A_1103 = arith.mulf %gather3A_1088, %get3A_1102 : vector<16xf32>
      %add3A_1104 = arith.addf %add3A_1084, %mul3A_1103 : vector<16xf32>
      %broadcast_in_dim3A_1105 = arith.constant 10 : i32
      %broadcast_in_dim3A_1106 = vector.broadcast %broadcast_in_dim3A_1105 : i32 to vector<16x1xi32>
      %gather3A_1107 = vector.shape_cast %broadcast_in_dim3A_1106 : vector<16x1xi32> to vector<16xi32>
      %gather3A_1108 = tpu.dynamic_gather %rev3A_904[%gather3A_1107] in [0] : vector<16xf32>, vector<16xi32> -> vector<16xf32>
      %get3A_1109 = arith.constant 43 : index
      %get3A_1110 = tpu.vector_load %arg17[%get3A_1109] {strides = array<i32>} : memref<128xf32, #tpu.memory_space<vmem>>, vector<16xf32>,
      %mul3A_1111 = arith.mulf %gather3A_1108, %get3A_1110 : vector<16xf32>
      %add3A_1112 = arith.addf %add3A_1092, %mul3A_1111 : vector<16xf32>
      %get3A_1113 = arith.constant 59 : index
      %get3A_1114 = tpu.vector_load %arg17[%get3A_1113] {strides = array<i32>} : memref<128xf32, #tpu.memory_space<vmem>>, vector<16xf32>,
      %mul3A_1115 = arith.mulf %gather3A_1108, %get3A_1114 : vector<16xf32>
      %add3A_1116 = arith.addf %add3A_1096, %mul3A_1115 : vector<16xf32>
      %get3A_1117 = arith.constant 75 : index
      %get3A_1118 = tpu.vector_load %arg17[%get3A_1117] {strides = array<i32>} : memref<128xf32, #tpu.memory_space<vmem>>, vector<16xf32>,
      %mul3A_1119 = arith.mulf %gather3A_1108, %get3A_1118 : vector<16xf32>
      %add3A_1120 = arith.addf %add3A_1100, %mul3A_1119 : vector<16xf32>
      %get3A_1121 = arith.constant 91 : index
      %get3A_1122 = tpu.vector_load %arg17[%get3A_1121] {strides = array<i32>} : memref<128xf32, #tpu.memory_space<vmem>>, vector<16xf32>,
      %mul3A_1123 = arith.mulf %gather3A_1108, %get3A_1122 : vector<16xf32>
      %add3A_1124 = arith.addf %add3A_1104, %mul3A_1123 : vector<16xf32>
      %broadcast_in_dim3A_1125 = arith.constant 11 : i32
      %broadcast_in_dim3A_1126 = vector.broadcast %broadcast_in_dim3A_1125 : i32 to vector<16x1xi32>
      %gather3A_1127 = vector.shape_cast %broadcast_in_dim3A_1126 : vector<16x1xi32> to vector<16xi32>
      %gather3A_1128 = tpu.dynamic_gather %rev3A_904[%gather3A_1127] in [0] : vector<16xf32>, vector<16xi32> -> vector<16xf32>
      %get3A_1129 = arith.constant 44 : index
      %get3A_1130 = tpu.vector_load %arg17[%get3A_1129] {strides = array<i32>} : memref<128xf32, #tpu.memory_space<vmem>>, vector<16xf32>,
      %mul3A_1131 = arith.mulf %gather3A_1128, %get3A_1130 : vector<16xf32>
      %add3A_1132 = arith.addf %add3A_1112, %mul3A_1131 : vector<16xf32>
      %get3A_1133 = arith.constant 60 : index
      %get3A_1134 = tpu.vector_load %arg17[%get3A_1133] {strides = array<i32>} : memref<128xf32, #tpu.memory_space<vmem>>, vector<16xf32>,
      %mul3A_1135 = arith.mulf %gather3A_1128, %get3A_1134 : vector<16xf32>
      %add3A_1136 = arith.addf %add3A_1116, %mul3A_1135 : vector<16xf32>
      %get3A_1137 = arith.constant 76 : index
      %get3A_1138 = tpu.vector_load %arg17[%get3A_1137] {strides = array<i32>} : memref<128xf32, #tpu.memory_space<vmem>>, vector<16xf32>,
      %mul3A_1139 = arith.mulf %gather3A_1128, %get3A_1138 : vector<16xf32>
      %add3A_1140 = arith.addf %add3A_1120, %mul3A_1139 : vector<16xf32>
      %get3A_1141 = arith.constant 92 : index
      %get3A_1142 = tpu.vector_load %arg17[%get3A_1141] {strides = array<i32>} : memref<128xf32, #tpu.memory_space<vmem>>, vector<16xf32>,
      %mul3A_1143 = arith.mulf %gather3A_1128, %get3A_1142 : vector<16xf32>
      %add3A_1144 = arith.addf %add3A_1124, %mul3A_1143 : vector<16xf32>
      %broadcast_in_dim3A_1145 = arith.constant 12 : i32
      %broadcast_in_dim3A_1146 = vector.broadcast %broadcast_in_dim3A_1145 : i32 to vector<16x1xi32>
      %gather3A_1147 = vector.shape_cast %broadcast_in_dim3A_1146 : vector<16x1xi32> to vector<16xi32>
      %gather3A_1148 = tpu.dynamic_gather %rev3A_904[%gather3A_1147] in [0] : vector<16xf32>, vector<16xi32> -> vector<16xf32>
      %get3A_1149 = arith.constant 45 : index
      %get3A_1150 = tpu.vector_load %arg17[%get3A_1149] {strides = array<i32>} : memref<128xf32, #tpu.memory_space<vmem>>, vector<16xf32>,
      %mul3A_1151 = arith.mulf %gather3A_1148, %get3A_1150 : vector<16xf32>
      %add3A_1152 = arith.addf %add3A_1132, %mul3A_1151 : vector<16xf32>
      %get3A_1153 = arith.constant 61 : index
      %get3A_1154 = tpu.vector_load %arg17[%get3A_1153] {strides = array<i32>} : memref<128xf32, #tpu.memory_space<vmem>>, vector<16xf32>,
      %mul3A_1155 = arith.mulf %gather3A_1148, %get3A_1154 : vector<16xf32>
      %add3A_1156 = arith.addf %add3A_1136, %mul3A_1155 : vector<16xf32>
      %get3A_1157 = arith.constant 77 : index
      %get3A_1158 = tpu.vector_load %arg17[%get3A_1157] {strides = array<i32>} : memref<128xf32, #tpu.memory_space<vmem>>, vector<16xf32>,
      %mul3A_1159 = arith.mulf %gather3A_1148, %get3A_1158 : vector<16xf32>
      %add3A_1160 = arith.addf %add3A_1140, %mul3A_1159 : vector<16xf32>
      %get3A_1161 = arith.constant 93 : index
      %get3A_1162 = tpu.vector_load %arg17[%get3A_1161] {strides = array<i32>} : memref<128xf32, #tpu.memory_space<vmem>>, vector<16xf32>,
      %mul3A_1163 = arith.mulf %gather3A_1148, %get3A_1162 : vector<16xf32>
      %add3A_1164 = arith.addf %add3A_1144, %mul3A_1163 : vector<16xf32>
      %broadcast_in_dim3A_1165 = arith.constant 13 : i32
      %broadcast_in_dim3A_1166 = vector.broadcast %broadcast_in_dim3A_1165 : i32 to vector<16x1xi32>
      %gather3A_1167 = vector.shape_cast %broadcast_in_dim3A_1166 : vector<16x1xi32> to vector<16xi32>
      %gather3A_1168 = tpu.dynamic_gather %rev3A_904[%gather3A_1167] in [0] : vector<16xf32>, vector<16xi32> -> vector<16xf32>
      %get3A_1169 = arith.constant 46 : index
      %get3A_1170 = tpu.vector_load %arg17[%get3A_1169] {strides = array<i32>} : memref<128xf32, #tpu.memory_space<vmem>>, vector<16xf32>,
      %mul3A_1171 = arith.mulf %gather3A_1168, %get3A_1170 : vector<16xf32>
      %add3A_1172 = arith.addf %add3A_1152, %mul3A_1171 : vector<16xf32>
      %get3A_1173 = arith.constant 62 : index
      %get3A_1174 = tpu.vector_load %arg17[%get3A_1173] {strides = array<i32>} : memref<128xf32, #tpu.memory_space<vmem>>, vector<16xf32>,
      %mul3A_1175 = arith.mulf %gather3A_1168, %get3A_1174 : vector<16xf32>
      %add3A_1176 = arith.addf %add3A_1156, %mul3A_1175 : vector<16xf32>
      %get3A_1177 = arith.constant 78 : index
      %get3A_1178 = tpu.vector_load %arg17[%get3A_1177] {strides = array<i32>} : memref<128xf32, #tpu.memory_space<vmem>>, vector<16xf32>,
      %mul3A_1179 = arith.mulf %gather3A_1168, %get3A_1178 : vector<16xf32>
      %add3A_1180 = arith.addf %add3A_1160, %mul3A_1179 : vector<16xf32>
      %get3A_1181 = arith.constant 94 : index
      %get3A_1182 = tpu.vector_load %arg17[%get3A_1181] {strides = array<i32>} : memref<128xf32, #tpu.memory_space<vmem>>, vector<16xf32>,
      %mul3A_1183 = arith.mulf %gather3A_1168, %get3A_1182 : vector<16xf32>
      %add3A_1184 = arith.addf %add3A_1164, %mul3A_1183 : vector<16xf32>
      %broadcast_in_dim3A_1185 = arith.constant 14 : i32
      %broadcast_in_dim3A_1186 = vector.broadcast %broadcast_in_dim3A_1185 : i32 to vector<16x1xi32>
      %gather3A_1187 = vector.shape_cast %broadcast_in_dim3A_1186 : vector<16x1xi32> to vector<16xi32>
      %gather3A_1188 = tpu.dynamic_gather %rev3A_904[%gather3A_1187] in [0] : vector<16xf32>, vector<16xi32> -> vector<16xf32>
      %get3A_1189 = arith.constant 47 : index
      %get3A_1190 = tpu.vector_load %arg17[%get3A_1189] {strides = array<i32>} : memref<128xf32, #tpu.memory_space<vmem>>, vector<16xf32>,
      %mul3A_1191 = arith.mulf %gather3A_1188, %get3A_1190 : vector<16xf32>
      %add3A_1192 = arith.addf %add3A_1172, %mul3A_1191 : vector<16xf32>
      %get3A_1193 = arith.constant 63 : index
      %get3A_1194 = tpu.vector_load %arg17[%get3A_1193] {strides = array<i32>} : memref<128xf32, #tpu.memory_space<vmem>>, vector<16xf32>,
      %mul3A_1195 = arith.mulf %gather3A_1188, %get3A_1194 : vector<16xf32>
      %add3A_1196 = arith.addf %add3A_1176, %mul3A_1195 : vector<16xf32>
      %get3A_1197 = arith.constant 79 : index
      %get3A_1198 = tpu.vector_load %arg17[%get3A_1197] {strides = array<i32>} : memref<128xf32, #tpu.memory_space<vmem>>, vector<16xf32>,
      %mul3A_1199 = arith.mulf %gather3A_1188, %get3A_1198 : vector<16xf32>
      %add3A_1200 = arith.addf %add3A_1180, %mul3A_1199 : vector<16xf32>
      %get3A_1201 = arith.constant 95 : index
      %get3A_1202 = tpu.vector_load %arg17[%get3A_1201] {strides = array<i32>} : memref<128xf32, #tpu.memory_space<vmem>>, vector<16xf32>,
      %mul3A_1203 = arith.mulf %gather3A_1188, %get3A_1202 : vector<16xf32>
      %add3A_1204 = arith.addf %add3A_1184, %mul3A_1203 : vector<16xf32>
      %broadcast_in_dim3A_1205 = arith.constant 15 : i32
      %broadcast_in_dim3A_1206 = vector.broadcast %broadcast_in_dim3A_1205 : i32 to vector<16x1xi32>
      %gather3A_1207 = vector.shape_cast %broadcast_in_dim3A_1206 : vector<16x1xi32> to vector<16xi32>
      %gather3A_1208 = tpu.dynamic_gather %rev3A_904[%gather3A_1207] in [0] : vector<16xf32>, vector<16xi32> -> vector<16xf32>
      %get3A_1209 = arith.constant 48 : index
      %get3A_1210 = tpu.vector_load %arg17[%get3A_1209] {strides = array<i32>} : memref<128xf32, #tpu.memory_space<vmem>>, vector<16xf32>,
      %mul3A_1211 = arith.mulf %gather3A_1208, %get3A_1210 : vector<16xf32>
      %add3A_1212 = arith.addf %add3A_1192, %mul3A_1211 : vector<16xf32>
      %get3A_1213 = arith.constant 64 : index
      %get3A_1214 = tpu.vector_load %arg17[%get3A_1213] {strides = array<i32>} : memref<128xf32, #tpu.memory_space<vmem>>, vector<16xf32>,
      %mul3A_1215 = arith.mulf %gather3A_1208, %get3A_1214 : vector<16xf32>
      %add3A_1216 = arith.addf %add3A_1196, %mul3A_1215 : vector<16xf32>
      %get3A_1217 = arith.constant 80 : index
      %get3A_1218 = tpu.vector_load %arg17[%get3A_1217] {strides = array<i32>} : memref<128xf32, #tpu.memory_space<vmem>>, vector<16xf32>,
      %mul3A_1219 = arith.mulf %gather3A_1208, %get3A_1218 : vector<16xf32>
      %add3A_1220 = arith.addf %add3A_1200, %mul3A_1219 : vector<16xf32>
      %get3A_1221 = arith.constant 96 : index
      %get3A_1222 = tpu.vector_load %arg17[%get3A_1221] {strides = array<i32>} : memref<128xf32, #tpu.memory_space<vmem>>, vector<16xf32>,
      %mul3A_1223 = arith.mulf %gather3A_1208, %get3A_1222 : vector<16xf32>
      %add3A_1224 = arith.addf %add3A_1204, %mul3A_1223 : vector<16xf32>
      %rev3A_1225 = arith.constant 15 : i32
      %rev3A_1226 = vector.broadcast %rev3A_1225 : i32 to vector<16xi32>
      %rev3A_1227 = tpu.iota {dimensions = array<i32: 0>} : vector<16xi32>
      %rev3A_1228 = arith.subi %rev3A_1226, %rev3A_1227 : vector<16xi32>
      %rev3A_1229 = tpu.dynamic_gather %add3A_225[%rev3A_1228] in [0] : vector<16xf32>, vector<16xi32> -> vector<16xf32>
      %broadcast_in_dim3A_1230 = arith.constant 0 : i32
      %broadcast_in_dim3A_1231 = vector.broadcast %broadcast_in_dim3A_1230 : i32 to vector<16x1xi32>
      %gather3A_1232 = vector.shape_cast %broadcast_in_dim3A_1231 : vector<16x1xi32> to vector<16xi32>
      %gather3A_1233 = tpu.dynamic_gather %rev3A_1229[%gather3A_1232] in [0] : vector<16xf32>, vector<16xi32> -> vector<16xf32>
      %get3A_1234 = arith.constant 49 : index
      %get3A_1235 = tpu.vector_load %arg17[%get3A_1234] {strides = array<i32>} : memref<128xf32, #tpu.memory_space<vmem>>, vector<16xf32>,
      %mul3A_1236 = arith.mulf %gather3A_1233, %get3A_1235 : vector<16xf32>
      %add3A_1237 = arith.addf %add3A_1212, %mul3A_1236 : vector<16xf32>
      %get3A_1238 = arith.constant 65 : index
      %get3A_1239 = tpu.vector_load %arg17[%get3A_1238] {strides = array<i32>} : memref<128xf32, #tpu.memory_space<vmem>>, vector<16xf32>,
      %mul3A_1240 = arith.mulf %gather3A_1233, %get3A_1239 : vector<16xf32>
      %add3A_1241 = arith.addf %add3A_1216, %mul3A_1240 : vector<16xf32>
      %get3A_1242 = arith.constant 81 : index
      %get3A_1243 = tpu.vector_load %arg17[%get3A_1242] {strides = array<i32>} : memref<128xf32, #tpu.memory_space<vmem>>, vector<16xf32>,
      %mul3A_1244 = arith.mulf %gather3A_1233, %get3A_1243 : vector<16xf32>
      %add3A_1245 = arith.addf %add3A_1220, %mul3A_1244 : vector<16xf32>
      %get3A_1246 = arith.constant 97 : index
      %get3A_1247 = tpu.vector_load %arg17[%get3A_1246] {strides = array<i32>} : memref<128xf32, #tpu.memory_space<vmem>>, vector<16xf32>,
      %mul3A_1248 = arith.mulf %gather3A_1233, %get3A_1247 : vector<16xf32>
      %add3A_1249 = arith.addf %add3A_1224, %mul3A_1248 : vector<16xf32>
      %broadcast_in_dim3A_1250 = arith.constant 1 : i32
      %broadcast_in_dim3A_1251 = vector.broadcast %broadcast_in_dim3A_1250 : i32 to vector<16x1xi32>
      %gather3A_1252 = vector.shape_cast %broadcast_in_dim3A_1251 : vector<16x1xi32> to vector<16xi32>
      %gather3A_1253 = tpu.dynamic_gather %rev3A_1229[%gather3A_1252] in [0] : vector<16xf32>, vector<16xi32> -> vector<16xf32>
      %get3A_1254 = arith.constant 50 : index
      %get3A_1255 = tpu.vector_load %arg17[%get3A_1254] {strides = array<i32>} : memref<128xf32, #tpu.memory_space<vmem>>, vector<16xf32>,
      %mul3A_1256 = arith.mulf %gather3A_1253, %get3A_1255 : vector<16xf32>
      %add3A_1257 = arith.addf %add3A_1237, %mul3A_1256 : vector<16xf32>
      %get3A_1258 = arith.constant 66 : index
      %get3A_1259 = tpu.vector_load %arg17[%get3A_1258] {strides = array<i32>} : memref<128xf32, #tpu.memory_space<vmem>>, vector<16xf32>,
      %mul3A_1260 = arith.mulf %gather3A_1253, %get3A_1259 : vector<16xf32>
      %add3A_1261 = arith.addf %add3A_1241, %mul3A_1260 : vector<16xf32>
      %get3A_1262 = arith.constant 82 : index
      %get3A_1263 = tpu.vector_load %arg17[%get3A_1262] {strides = array<i32>} : memref<128xf32, #tpu.memory_space<vmem>>, vector<16xf32>,
      %mul3A_1264 = arith.mulf %gather3A_1253, %get3A_1263 : vector<16xf32>
      %add3A_1265 = arith.addf %add3A_1245, %mul3A_1264 : vector<16xf32>
      %get3A_1266 = arith.constant 98 : index
      %get3A_1267 = tpu.vector_load %arg17[%get3A_1266] {strides = array<i32>} : memref<128xf32, #tpu.memory_space<vmem>>, vector<16xf32>,
      %mul3A_1268 = arith.mulf %gather3A_1253, %get3A_1267 : vector<16xf32>
      %add3A_1269 = arith.addf %add3A_1249, %mul3A_1268 : vector<16xf32>
      %broadcast_in_dim3A_1270 = arith.constant 2 : i32
      %broadcast_in_dim3A_1271 = vector.broadcast %broadcast_in_dim3A_1270 : i32 to vector<16x1xi32>
      %gather3A_1272 = vector.shape_cast %broadcast_in_dim3A_1271 : vector<16x1xi32> to vector<16xi32>
      %gather3A_1273 = tpu.dynamic_gather %rev3A_1229[%gather3A_1272] in [0] : vector<16xf32>, vector<16xi32> -> vector<16xf32>
      %get3A_1274 = arith.constant 51 : index
      %get3A_1275 = tpu.vector_load %arg17[%get3A_1274] {strides = array<i32>} : memref<128xf32, #tpu.memory_space<vmem>>, vector<16xf32>,
      %mul3A_1276 = arith.mulf %gather3A_1273, %get3A_1275 : vector<16xf32>
      %add3A_1277 = arith.addf %add3A_1257, %mul3A_1276 : vector<16xf32>
      %get3A_1278 = arith.constant 67 : index
      %get3A_1279 = tpu.vector_load %arg17[%get3A_1278] {strides = array<i32>} : memref<128xf32, #tpu.memory_space<vmem>>, vector<16xf32>,
      %mul3A_1280 = arith.mulf %gather3A_1273, %get3A_1279 : vector<16xf32>
      %add3A_1281 = arith.addf %add3A_1261, %mul3A_1280 : vector<16xf32>
      %get3A_1282 = arith.constant 83 : index
      %get3A_1283 = tpu.vector_load %arg17[%get3A_1282] {strides = array<i32>} : memref<128xf32, #tpu.memory_space<vmem>>, vector<16xf32>,
      %mul3A_1284 = arith.mulf %gather3A_1273, %get3A_1283 : vector<16xf32>
      %add3A_1285 = arith.addf %add3A_1265, %mul3A_1284 : vector<16xf32>
      %get3A_1286 = arith.constant 99 : index
      %get3A_1287 = tpu.vector_load %arg17[%get3A_1286] {strides = array<i32>} : memref<128xf32, #tpu.memory_space<vmem>>, vector<16xf32>,
      %mul3A_1288 = arith.mulf %gather3A_1273, %get3A_1287 : vector<16xf32>
      %add3A_1289 = arith.addf %add3A_1269, %mul3A_1288 : vector<16xf32>
      %broadcast_in_dim3A_1290 = arith.constant 3 : i32
      %broadcast_in_dim3A_1291 = vector.broadcast %broadcast_in_dim3A_1290 : i32 to vector<16x1xi32>
      %gather3A_1292 = vector.shape_cast %broadcast_in_dim3A_1291 : vector<16x1xi32> to vector<16xi32>
      %gather3A_1293 = tpu.dynamic_gather %rev3A_1229[%gather3A_1292] in [0] : vector<16xf32>, vector<16xi32> -> vector<16xf32>
      %get3A_1294 = arith.constant 52 : index
      %get3A_1295 = tpu.vector_load %arg17[%get3A_1294] {strides = array<i32>} : memref<128xf32, #tpu.memory_space<vmem>>, vector<16xf32>,
      %mul3A_1296 = arith.mulf %gather3A_1293, %get3A_1295 : vector<16xf32>
      %add3A_1297 = arith.addf %add3A_1277, %mul3A_1296 : vector<16xf32>
      %get3A_1298 = arith.constant 68 : index
      %get3A_1299 = tpu.vector_load %arg17[%get3A_1298] {strides = array<i32>} : memref<128xf32, #tpu.memory_space<vmem>>, vector<16xf32>,
      %mul3A_1300 = arith.mulf %gather3A_1293, %get3A_1299 : vector<16xf32>
      %add3A_1301 = arith.addf %add3A_1281, %mul3A_1300 : vector<16xf32>
      %get3A_1302 = arith.constant 84 : index
      %get3A_1303 = tpu.vector_load %arg17[%get3A_1302] {strides = array<i32>} : memref<128xf32, #tpu.memory_space<vmem>>, vector<16xf32>,
      %mul3A_1304 = arith.mulf %gather3A_1293, %get3A_1303 : vector<16xf32>
      %add3A_1305 = arith.addf %add3A_1285, %mul3A_1304 : vector<16xf32>
      %get3A_1306 = arith.constant 100 : index
      %get3A_1307 = tpu.vector_load %arg17[%get3A_1306] {strides = array<i32>} : memref<128xf32, #tpu.memory_space<vmem>>, vector<16xf32>,
      %mul3A_1308 = arith.mulf %gather3A_1293, %get3A_1307 : vector<16xf32>
      %add3A_1309 = arith.addf %add3A_1289, %mul3A_1308 : vector<16xf32>
      %broadcast_in_dim3A_1310 = arith.constant 4 : i32
      %broadcast_in_dim3A_1311 = vector.broadcast %broadcast_in_dim3A_1310 : i32 to vector<16x1xi32>
      %gather3A_1312 = vector.shape_cast %broadcast_in_dim3A_1311 : vector<16x1xi32> to vector<16xi32>
      %gather3A_1313 = tpu.dynamic_gather %rev3A_1229[%gather3A_1312] in [0] : vector<16xf32>, vector<16xi32> -> vector<16xf32>
      %get3A_1314 = arith.constant 53 : index
      %get3A_1315 = tpu.vector_load %arg17[%get3A_1314] {strides = array<i32>} : memref<128xf32, #tpu.memory_space<vmem>>, vector<16xf32>,
      %mul3A_1316 = arith.mulf %gather3A_1313, %get3A_1315 : vector<16xf32>
      %add3A_1317 = arith.addf %add3A_1297, %mul3A_1316 : vector<16xf32>
      %get3A_1318 = arith.constant 69 : index
      %get3A_1319 = tpu.vector_load %arg17[%get3A_1318] {strides = array<i32>} : memref<128xf32, #tpu.memory_space<vmem>>, vector<16xf32>,
      %mul3A_1320 = arith.mulf %gather3A_1313, %get3A_1319 : vector<16xf32>
      %add3A_1321 = arith.addf %add3A_1301, %mul3A_1320 : vector<16xf32>
      %get3A_1322 = arith.constant 85 : index
      %get3A_1323 = tpu.vector_load %arg17[%get3A_1322] {strides = array<i32>} : memref<128xf32, #tpu.memory_space<vmem>>, vector<16xf32>,
      %mul3A_1324 = arith.mulf %gather3A_1313, %get3A_1323 : vector<16xf32>
      %add3A_1325 = arith.addf %add3A_1305, %mul3A_1324 : vector<16xf32>
      %get3A_1326 = arith.constant 101 : index
      %get3A_1327 = tpu.vector_load %arg17[%get3A_1326] {strides = array<i32>} : memref<128xf32, #tpu.memory_space<vmem>>, vector<16xf32>,
      %mul3A_1328 = arith.mulf %gather3A_1313, %get3A_1327 : vector<16xf32>
      %add3A_1329 = arith.addf %add3A_1309, %mul3A_1328 : vector<16xf32>
      %broadcast_in_dim3A_1330 = arith.constant 5 : i32
      %broadcast_in_dim3A_1331 = vector.broadcast %broadcast_in_dim3A_1330 : i32 to vector<16x1xi32>
      %gather3A_1332 = vector.shape_cast %broadcast_in_dim3A_1331 : vector<16x1xi32> to vector<16xi32>
      %gather3A_1333 = tpu.dynamic_gather %rev3A_1229[%gather3A_1332] in [0] : vector<16xf32>, vector<16xi32> -> vector<16xf32>
      %get3A_1334 = arith.constant 54 : index
      %get3A_1335 = tpu.vector_load %arg17[%get3A_1334] {strides = array<i32>} : memref<128xf32, #tpu.memory_space<vmem>>, vector<16xf32>,
      %mul3A_1336 = arith.mulf %gather3A_1333, %get3A_1335 : vector<16xf32>
      %add3A_1337 = arith.addf %add3A_1317, %mul3A_1336 : vector<16xf32>
      %get3A_1338 = arith.constant 70 : index
      %get3A_1339 = tpu.vector_load %arg17[%get3A_1338] {strides = array<i32>} : memref<128xf32, #tpu.memory_space<vmem>>, vector<16xf32>,
      %mul3A_1340 = arith.mulf %gather3A_1333, %get3A_1339 : vector<16xf32>
      %add3A_1341 = arith.addf %add3A_1321, %mul3A_1340 : vector<16xf32>
      %get3A_1342 = arith.constant 86 : index
      %get3A_1343 = tpu.vector_load %arg17[%get3A_1342] {strides = array<i32>} : memref<128xf32, #tpu.memory_space<vmem>>, vector<16xf32>,
      %mul3A_1344 = arith.mulf %gather3A_1333, %get3A_1343 : vector<16xf32>
      %add3A_1345 = arith.addf %add3A_1325, %mul3A_1344 : vector<16xf32>
      %get3A_1346 = arith.constant 102 : index
      %get3A_1347 = tpu.vector_load %arg17[%get3A_1346] {strides = array<i32>} : memref<128xf32, #tpu.memory_space<vmem>>, vector<16xf32>,
      %mul3A_1348 = arith.mulf %gather3A_1333, %get3A_1347 : vector<16xf32>
      %add3A_1349 = arith.addf %add3A_1329, %mul3A_1348 : vector<16xf32>
      %broadcast_in_dim3A_1350 = arith.constant 6 : i32
      %broadcast_in_dim3A_1351 = vector.broadcast %broadcast_in_dim3A_1350 : i32 to vector<16x1xi32>
      %gather3A_1352 = vector.shape_cast %broadcast_in_dim3A_1351 : vector<16x1xi32> to vector<16xi32>
      %gather3A_1353 = tpu.dynamic_gather %rev3A_1229[%gather3A_1352] in [0] : vector<16xf32>, vector<16xi32> -> vector<16xf32>
      %get3A_1354 = arith.constant 55 : index
      %get3A_1355 = tpu.vector_load %arg17[%get3A_1354] {strides = array<i32>} : memref<128xf32, #tpu.memory_space<vmem>>, vector<16xf32>,
      %mul3A_1356 = arith.mulf %gather3A_1353, %get3A_1355 : vector<16xf32>
      %add3A_1357 = arith.addf %add3A_1337, %mul3A_1356 : vector<16xf32>
      %get3A_1358 = arith.constant 71 : index
      %get3A_1359 = tpu.vector_load %arg17[%get3A_1358] {strides = array<i32>} : memref<128xf32, #tpu.memory_space<vmem>>, vector<16xf32>,
      %mul3A_1360 = arith.mulf %gather3A_1353, %get3A_1359 : vector<16xf32>
      %add3A_1361 = arith.addf %add3A_1341, %mul3A_1360 : vector<16xf32>
      %get3A_1362 = arith.constant 87 : index
      %get3A_1363 = tpu.vector_load %arg17[%get3A_1362] {strides = array<i32>} : memref<128xf32, #tpu.memory_space<vmem>>, vector<16xf32>,
      %mul3A_1364 = arith.mulf %gather3A_1353, %get3A_1363 : vector<16xf32>
      %add3A_1365 = arith.addf %add3A_1345, %mul3A_1364 : vector<16xf32>
      %get3A_1366 = arith.constant 103 : index
      %get3A_1367 = tpu.vector_load %arg17[%get3A_1366] {strides = array<i32>} : memref<128xf32, #tpu.memory_space<vmem>>, vector<16xf32>,
      %mul3A_1368 = arith.mulf %gather3A_1353, %get3A_1367 : vector<16xf32>
      %add3A_1369 = arith.addf %add3A_1349, %mul3A_1368 : vector<16xf32>
      %broadcast_in_dim3A_1370 = arith.constant 7 : i32
      %broadcast_in_dim3A_1371 = vector.broadcast %broadcast_in_dim3A_1370 : i32 to vector<16x1xi32>
      %gather3A_1372 = vector.shape_cast %broadcast_in_dim3A_1371 : vector<16x1xi32> to vector<16xi32>
      %gather3A_1373 = tpu.dynamic_gather %rev3A_1229[%gather3A_1372] in [0] : vector<16xf32>, vector<16xi32> -> vector<16xf32>
      %get3A_1374 = arith.constant 56 : index
      %get3A_1375 = tpu.vector_load %arg17[%get3A_1374] {strides = array<i32>} : memref<128xf32, #tpu.memory_space<vmem>>, vector<16xf32>,
      %mul3A_1376 = arith.mulf %gather3A_1373, %get3A_1375 : vector<16xf32>
      %add3A_1377 = arith.addf %add3A_1357, %mul3A_1376 : vector<16xf32>
      %get3A_1378 = arith.constant 72 : index
      %get3A_1379 = tpu.vector_load %arg17[%get3A_1378] {strides = array<i32>} : memref<128xf32, #tpu.memory_space<vmem>>, vector<16xf32>,
      %mul3A_1380 = arith.mulf %gather3A_1373, %get3A_1379 : vector<16xf32>
      %add3A_1381 = arith.addf %add3A_1361, %mul3A_1380 : vector<16xf32>
      %get3A_1382 = arith.constant 88 : index
      %get3A_1383 = tpu.vector_load %arg17[%get3A_1382] {strides = array<i32>} : memref<128xf32, #tpu.memory_space<vmem>>, vector<16xf32>,
      %mul3A_1384 = arith.mulf %gather3A_1373, %get3A_1383 : vector<16xf32>
      %add3A_1385 = arith.addf %add3A_1365, %mul3A_1384 : vector<16xf32>
      %get3A_1386 = arith.constant 104 : index
      %get3A_1387 = tpu.vector_load %arg17[%get3A_1386] {strides = array<i32>} : memref<128xf32, #tpu.memory_space<vmem>>, vector<16xf32>,
      %mul3A_1388 = arith.mulf %gather3A_1373, %get3A_1387 : vector<16xf32>
      %add3A_1389 = arith.addf %add3A_1369, %mul3A_1388 : vector<16xf32>
      %broadcast_in_dim3A_1390 = arith.constant 8 : i32
      %broadcast_in_dim3A_1391 = vector.broadcast %broadcast_in_dim3A_1390 : i32 to vector<16x1xi32>
      %gather3A_1392 = vector.shape_cast %broadcast_in_dim3A_1391 : vector<16x1xi32> to vector<16xi32>
      %gather3A_1393 = tpu.dynamic_gather %rev3A_1229[%gather3A_1392] in [0] : vector<16xf32>, vector<16xi32> -> vector<16xf32>
      %get3A_1394 = arith.constant 57 : index
      %get3A_1395 = tpu.vector_load %arg17[%get3A_1394] {strides = array<i32>} : memref<128xf32, #tpu.memory_space<vmem>>, vector<16xf32>,
      %mul3A_1396 = arith.mulf %gather3A_1393, %get3A_1395 : vector<16xf32>
      %add3A_1397 = arith.addf %add3A_1377, %mul3A_1396 : vector<16xf32>
      %get3A_1398 = arith.constant 73 : index
      %get3A_1399 = tpu.vector_load %arg17[%get3A_1398] {strides = array<i32>} : memref<128xf32, #tpu.memory_space<vmem>>, vector<16xf32>,
      %mul3A_1400 = arith.mulf %gather3A_1393, %get3A_1399 : vector<16xf32>
      %add3A_1401 = arith.addf %add3A_1381, %mul3A_1400 : vector<16xf32>
      %get3A_1402 = arith.constant 89 : index
      %get3A_1403 = tpu.vector_load %arg17[%get3A_1402] {strides = array<i32>} : memref<128xf32, #tpu.memory_space<vmem>>, vector<16xf32>,
      %mul3A_1404 = arith.mulf %gather3A_1393, %get3A_1403 : vector<16xf32>
      %add3A_1405 = arith.addf %add3A_1385, %mul3A_1404 : vector<16xf32>
      %get3A_1406 = arith.constant 105 : index
      %get3A_1407 = tpu.vector_load %arg17[%get3A_1406] {strides = array<i32>} : memref<128xf32, #tpu.memory_space<vmem>>, vector<16xf32>,
      %mul3A_1408 = arith.mulf %gather3A_1393, %get3A_1407 : vector<16xf32>
      %add3A_1409 = arith.addf %add3A_1389, %mul3A_1408 : vector<16xf32>
      %broadcast_in_dim3A_1410 = arith.constant 9 : i32
      %broadcast_in_dim3A_1411 = vector.broadcast %broadcast_in_dim3A_1410 : i32 to vector<16x1xi32>
      %gather3A_1412 = vector.shape_cast %broadcast_in_dim3A_1411 : vector<16x1xi32> to vector<16xi32>
      %gather3A_1413 = tpu.dynamic_gather %rev3A_1229[%gather3A_1412] in [0] : vector<16xf32>, vector<16xi32> -> vector<16xf32>
      %get3A_1414 = arith.constant 58 : index
      %get3A_1415 = tpu.vector_load %arg17[%get3A_1414] {strides = array<i32>} : memref<128xf32, #tpu.memory_space<vmem>>, vector<16xf32>,
      %mul3A_1416 = arith.mulf %gather3A_1413, %get3A_1415 : vector<16xf32>
      %add3A_1417 = arith.addf %add3A_1397, %mul3A_1416 : vector<16xf32>
      %get3A_1418 = arith.constant 74 : index
      %get3A_1419 = tpu.vector_load %arg17[%get3A_1418] {strides = array<i32>} : memref<128xf32, #tpu.memory_space<vmem>>, vector<16xf32>,
      %mul3A_1420 = arith.mulf %gather3A_1413, %get3A_1419 : vector<16xf32>
      %add3A_1421 = arith.addf %add3A_1401, %mul3A_1420 : vector<16xf32>
      %get3A_1422 = arith.constant 90 : index
      %get3A_1423 = tpu.vector_load %arg17[%get3A_1422] {strides = array<i32>} : memref<128xf32, #tpu.memory_space<vmem>>, vector<16xf32>,
      %mul3A_1424 = arith.mulf %gather3A_1413, %get3A_1423 : vector<16xf32>
      %add3A_1425 = arith.addf %add3A_1405, %mul3A_1424 : vector<16xf32>
      %get3A_1426 = arith.constant 106 : index
      %get3A_1427 = tpu.vector_load %arg17[%get3A_1426] {strides = array<i32>} : memref<128xf32, #tpu.memory_space<vmem>>, vector<16xf32>,
      %mul3A_1428 = arith.mulf %gather3A_1413, %get3A_1427 : vector<16xf32>
      %add3A_1429 = arith.addf %add3A_1409, %mul3A_1428 : vector<16xf32>
      %broadcast_in_dim3A_1430 = arith.constant 10 : i32
      %broadcast_in_dim3A_1431 = vector.broadcast %broadcast_in_dim3A_1430 : i32 to vector<16x1xi32>
      %gather3A_1432 = vector.shape_cast %broadcast_in_dim3A_1431 : vector<16x1xi32> to vector<16xi32>
      %gather3A_1433 = tpu.dynamic_gather %rev3A_1229[%gather3A_1432] in [0] : vector<16xf32>, vector<16xi32> -> vector<16xf32>
      %get3A_1434 = arith.constant 59 : index
      %get3A_1435 = tpu.vector_load %arg17[%get3A_1434] {strides = array<i32>} : memref<128xf32, #tpu.memory_space<vmem>>, vector<16xf32>,
      %mul3A_1436 = arith.mulf %gather3A_1433, %get3A_1435 : vector<16xf32>
      %add3A_1437 = arith.addf %add3A_1417, %mul3A_1436 : vector<16xf32>
      %get3A_1438 = arith.constant 75 : index
      %get3A_1439 = tpu.vector_load %arg17[%get3A_1438] {strides = array<i32>} : memref<128xf32, #tpu.memory_space<vmem>>, vector<16xf32>,
      %mul3A_1440 = arith.mulf %gather3A_1433, %get3A_1439 : vector<16xf32>
      %add3A_1441 = arith.addf %add3A_1421, %mul3A_1440 : vector<16xf32>
      %get3A_1442 = arith.constant 91 : index
      %get3A_1443 = tpu.vector_load %arg17[%get3A_1442] {strides = array<i32>} : memref<128xf32, #tpu.memory_space<vmem>>, vector<16xf32>,
      %mul3A_1444 = arith.mulf %gather3A_1433, %get3A_1443 : vector<16xf32>
      %add3A_1445 = arith.addf %add3A_1425, %mul3A_1444 : vector<16xf32>
      %get3A_1446 = arith.constant 107 : index
      %get3A_1447 = tpu.vector_load %arg17[%get3A_1446] {strides = array<i32>} : memref<128xf32, #tpu.memory_space<vmem>>, vector<16xf32>,
      %mul3A_1448 = arith.mulf %gather3A_1433, %get3A_1447 : vector<16xf32>
      %add3A_1449 = arith.addf %add3A_1429, %mul3A_1448 : vector<16xf32>
      %broadcast_in_dim3A_1450 = arith.constant 11 : i32
      %broadcast_in_dim3A_1451 = vector.broadcast %broadcast_in_dim3A_1450 : i32 to vector<16x1xi32>
      %gather3A_1452 = vector.shape_cast %broadcast_in_dim3A_1451 : vector<16x1xi32> to vector<16xi32>
      %gather3A_1453 = tpu.dynamic_gather %rev3A_1229[%gather3A_1452] in [0] : vector<16xf32>, vector<16xi32> -> vector<16xf32>
      %get3A_1454 = arith.constant 60 : index
      %get3A_1455 = tpu.vector_load %arg17[%get3A_1454] {strides = array<i32>} : memref<128xf32, #tpu.memory_space<vmem>>, vector<16xf32>,
      %mul3A_1456 = arith.mulf %gather3A_1453, %get3A_1455 : vector<16xf32>
      %add3A_1457 = arith.addf %add3A_1437, %mul3A_1456 : vector<16xf32>
      %get3A_1458 = arith.constant 76 : index
      %get3A_1459 = tpu.vector_load %arg17[%get3A_1458] {strides = array<i32>} : memref<128xf32, #tpu.memory_space<vmem>>, vector<16xf32>,
      %mul3A_1460 = arith.mulf %gather3A_1453, %get3A_1459 : vector<16xf32>
      %add3A_1461 = arith.addf %add3A_1441, %mul3A_1460 : vector<16xf32>
      %get3A_1462 = arith.constant 92 : index
      %get3A_1463 = tpu.vector_load %arg17[%get3A_1462] {strides = array<i32>} : memref<128xf32, #tpu.memory_space<vmem>>, vector<16xf32>,
      %mul3A_1464 = arith.mulf %gather3A_1453, %get3A_1463 : vector<16xf32>
      %add3A_1465 = arith.addf %add3A_1445, %mul3A_1464 : vector<16xf32>
      %get3A_1466 = arith.constant 108 : index
      %get3A_1467 = tpu.vector_load %arg17[%get3A_1466] {strides = array<i32>} : memref<128xf32, #tpu.memory_space<vmem>>, vector<16xf32>,
      %mul3A_1468 = arith.mulf %gather3A_1453, %get3A_1467 : vector<16xf32>
      %add3A_1469 = arith.addf %add3A_1449, %mul3A_1468 : vector<16xf32>
      %broadcast_in_dim3A_1470 = arith.constant 12 : i32
      %broadcast_in_dim3A_1471 = vector.broadcast %broadcast_in_dim3A_1470 : i32 to vector<16x1xi32>
      %gather3A_1472 = vector.shape_cast %broadcast_in_dim3A_1471 : vector<16x1xi32> to vector<16xi32>
      %gather3A_1473 = tpu.dynamic_gather %rev3A_1229[%gather3A_1472] in [0] : vector<16xf32>, vector<16xi32> -> vector<16xf32>
      %get3A_1474 = arith.constant 61 : index
      %get3A_1475 = tpu.vector_load %arg17[%get3A_1474] {strides = array<i32>} : memref<128xf32, #tpu.memory_space<vmem>>, vector<16xf32>,
      %mul3A_1476 = arith.mulf %gather3A_1473, %get3A_1475 : vector<16xf32>
      %add3A_1477 = arith.addf %add3A_1457, %mul3A_1476 : vector<16xf32>
      %get3A_1478 = arith.constant 77 : index
      %get3A_1479 = tpu.vector_load %arg17[%get3A_1478] {strides = array<i32>} : memref<128xf32, #tpu.memory_space<vmem>>, vector<16xf32>,
      %mul3A_1480 = arith.mulf %gather3A_1473, %get3A_1479 : vector<16xf32>
      %add3A_1481 = arith.addf %add3A_1461, %mul3A_1480 : vector<16xf32>
      %get3A_1482 = arith.constant 93 : index
      %get3A_1483 = tpu.vector_load %arg17[%get3A_1482] {strides = array<i32>} : memref<128xf32, #tpu.memory_space<vmem>>, vector<16xf32>,
      %mul3A_1484 = arith.mulf %gather3A_1473, %get3A_1483 : vector<16xf32>
      %add3A_1485 = arith.addf %add3A_1465, %mul3A_1484 : vector<16xf32>
      %get3A_1486 = arith.constant 109 : index
      %get3A_1487 = tpu.vector_load %arg17[%get3A_1486] {strides = array<i32>} : memref<128xf32, #tpu.memory_space<vmem>>, vector<16xf32>,
      %mul3A_1488 = arith.mulf %gather3A_1473, %get3A_1487 : vector<16xf32>
      %add3A_1489 = arith.addf %add3A_1469, %mul3A_1488 : vector<16xf32>
      %broadcast_in_dim3A_1490 = arith.constant 13 : i32
      %broadcast_in_dim3A_1491 = vector.broadcast %broadcast_in_dim3A_1490 : i32 to vector<16x1xi32>
      %gather3A_1492 = vector.shape_cast %broadcast_in_dim3A_1491 : vector<16x1xi32> to vector<16xi32>
      %gather3A_1493 = tpu.dynamic_gather %rev3A_1229[%gather3A_1492] in [0] : vector<16xf32>, vector<16xi32> -> vector<16xf32>
      %get3A_1494 = arith.constant 62 : index
      %get3A_1495 = tpu.vector_load %arg17[%get3A_1494] {strides = array<i32>} : memref<128xf32, #tpu.memory_space<vmem>>, vector<16xf32>,
      %mul3A_1496 = arith.mulf %gather3A_1493, %get3A_1495 : vector<16xf32>
      %add3A_1497 = arith.addf %add3A_1477, %mul3A_1496 : vector<16xf32>
      %get3A_1498 = arith.constant 78 : index
      %get3A_1499 = tpu.vector_load %arg17[%get3A_1498] {strides = array<i32>} : memref<128xf32, #tpu.memory_space<vmem>>, vector<16xf32>,
      %mul3A_1500 = arith.mulf %gather3A_1493, %get3A_1499 : vector<16xf32>
      %add3A_1501 = arith.addf %add3A_1481, %mul3A_1500 : vector<16xf32>
      %get3A_1502 = arith.constant 94 : index
      %get3A_1503 = tpu.vector_load %arg17[%get3A_1502] {strides = array<i32>} : memref<128xf32, #tpu.memory_space<vmem>>, vector<16xf32>,
      %mul3A_1504 = arith.mulf %gather3A_1493, %get3A_1503 : vector<16xf32>
      %add3A_1505 = arith.addf %add3A_1485, %mul3A_1504 : vector<16xf32>
      %get3A_1506 = arith.constant 110 : index
      %get3A_1507 = tpu.vector_load %arg17[%get3A_1506] {strides = array<i32>} : memref<128xf32, #tpu.memory_space<vmem>>, vector<16xf32>,
      %mul3A_1508 = arith.mulf %gather3A_1493, %get3A_1507 : vector<16xf32>
      %add3A_1509 = arith.addf %add3A_1489, %mul3A_1508 : vector<16xf32>
      %broadcast_in_dim3A_1510 = arith.constant 14 : i32
      %broadcast_in_dim3A_1511 = vector.broadcast %broadcast_in_dim3A_1510 : i32 to vector<16x1xi32>
      %gather3A_1512 = vector.shape_cast %broadcast_in_dim3A_1511 : vector<16x1xi32> to vector<16xi32>
      %gather3A_1513 = tpu.dynamic_gather %rev3A_1229[%gather3A_1512] in [0] : vector<16xf32>, vector<16xi32> -> vector<16xf32>
      %get3A_1514 = arith.constant 63 : index
      %get3A_1515 = tpu.vector_load %arg17[%get3A_1514] {strides = array<i32>} : memref<128xf32, #tpu.memory_space<vmem>>, vector<16xf32>,
      %mul3A_1516 = arith.mulf %gather3A_1513, %get3A_1515 : vector<16xf32>
      %add3A_1517 = arith.addf %add3A_1497, %mul3A_1516 : vector<16xf32>
      %get3A_1518 = arith.constant 79 : index
      %get3A_1519 = tpu.vector_load %arg17[%get3A_1518] {strides = array<i32>} : memref<128xf32, #tpu.memory_space<vmem>>, vector<16xf32>,
      %mul3A_1520 = arith.mulf %gather3A_1513, %get3A_1519 : vector<16xf32>
      %add3A_1521 = arith.addf %add3A_1501, %mul3A_1520 : vector<16xf32>
      %get3A_1522 = arith.constant 95 : index
      %get3A_1523 = tpu.vector_load %arg17[%get3A_1522] {strides = array<i32>} : memref<128xf32, #tpu.memory_space<vmem>>, vector<16xf32>,
      %mul3A_1524 = arith.mulf %gather3A_1513, %get3A_1523 : vector<16xf32>
      %add3A_1525 = arith.addf %add3A_1505, %mul3A_1524 : vector<16xf32>
      %get3A_1526 = arith.constant 111 : index
      %get3A_1527 = tpu.vector_load %arg17[%get3A_1526] {strides = array<i32>} : memref<128xf32, #tpu.memory_space<vmem>>, vector<16xf32>,
      %mul3A_1528 = arith.mulf %gather3A_1513, %get3A_1527 : vector<16xf32>
      %add3A_1529 = arith.addf %add3A_1509, %mul3A_1528 : vector<16xf32>
      %broadcast_in_dim3A_1530 = arith.constant 15 : i32
      %broadcast_in_dim3A_1531 = vector.broadcast %broadcast_in_dim3A_1530 : i32 to vector<16x1xi32>
      %gather3A_1532 = vector.shape_cast %broadcast_in_dim3A_1531 : vector<16x1xi32> to vector<16xi32>
      %gather3A_1533 = tpu.dynamic_gather %rev3A_1229[%gather3A_1532] in [0] : vector<16xf32>, vector<16xi32> -> vector<16xf32>
      %get3A_1534 = arith.constant 64 : index
      %get3A_1535 = tpu.vector_load %arg17[%get3A_1534] {strides = array<i32>} : memref<128xf32, #tpu.memory_space<vmem>>, vector<16xf32>,
      %mul3A_1536 = arith.mulf %gather3A_1533, %get3A_1535 : vector<16xf32>
      %add3A_1537 = arith.addf %add3A_1517, %mul3A_1536 : vector<16xf32>
      %get3A_1538 = arith.constant 80 : index
      %get3A_1539 = tpu.vector_load %arg17[%get3A_1538] {strides = array<i32>} : memref<128xf32, #tpu.memory_space<vmem>>, vector<16xf32>,
      %mul3A_1540 = arith.mulf %gather3A_1533, %get3A_1539 : vector<16xf32>
      %add3A_1541 = arith.addf %add3A_1521, %mul3A_1540 : vector<16xf32>
      %get3A_1542 = arith.constant 96 : index
      %get3A_1543 = tpu.vector_load %arg17[%get3A_1542] {strides = array<i32>} : memref<128xf32, #tpu.memory_space<vmem>>, vector<16xf32>,
      %mul3A_1544 = arith.mulf %gather3A_1533, %get3A_1543 : vector<16xf32>
      %add3A_1545 = arith.addf %add3A_1525, %mul3A_1544 : vector<16xf32>
      %get3A_1546 = arith.constant 112 : index
      %get3A_1547 = tpu.vector_load %arg17[%get3A_1546] {strides = array<i32>} : memref<128xf32, #tpu.memory_space<vmem>>, vector<16xf32>,
      %mul3A_1548 = arith.mulf %gather3A_1533, %get3A_1547 : vector<16xf32>
      %add3A_1549 = arith.addf %add3A_1529, %mul3A_1548 : vector<16xf32>
      %mul3A_1550 = arith.mulf %add3A_217, %add3A_1537 : vector<16xf32>
      %mul3A_1551 = arith.mulf %add3A_218, %add3A_1541 : vector<16xf32>
      %add3A_1552 = arith.addf %mul3A_1550, %mul3A_1551 : vector<16xf32>
      %mul3A_1553 = arith.mulf %add3A_219, %add3A_1545 : vector<16xf32>
      %add3A_1554 = arith.addf %add3A_1552, %mul3A_1553 : vector<16xf32>
      %mul3A_1555 = arith.mulf %add3A_220, %add3A_1549 : vector<16xf32>
      %add3A_1556 = arith.addf %add3A_1554, %mul3A_1555 : vector<16xf32>
      %iota3A_1557 = tpu.iota {dimensions = array<i32: 0>} : vector<16xi32>
      %add3A_1558 = arith.constant 8 : i32
      %add3A_1559 = vector.broadcast %add3A_1558 : i32 to vector<16xi32>
      %add3A_1560 = arith.addi %iota3A_1557, %add3A_1559 : vector<16xi32>
      %and3A_1561 = arith.constant 15 : i32
      %and3A_1562 = vector.broadcast %and3A_1561 : i32 to vector<16xi32>
      %and3A_1563 = arith.andi %add3A_1560, %and3A_1562 : vector<16xi32>
      %broadcast_in_dim3A_1564 = vector.shape_cast %and3A_1563 : vector<16xi32> to vector<16x1xi32>
      %gather3A_1565 = vector.shape_cast %broadcast_in_dim3A_1564 : vector<16x1xi32> to vector<16xi32>
      %gather3A_1566 = tpu.dynamic_gather %add3A_1556[%gather3A_1565] in [0] : vector<16xf32>, vector<16xi32> -> vector<16xf32>
      %add3A_1567 = arith.addf %add3A_1556, %gather3A_1566 : vector<16xf32>
      %iota3A_1568 = tpu.iota {dimensions = array<i32: 0>} : vector<16xi32>
      %add3A_1569 = arith.constant 4 : i32
      %add3A_1570 = vector.broadcast %add3A_1569 : i32 to vector<16xi32>
      %add3A_1571 = arith.addi %iota3A_1568, %add3A_1570 : vector<16xi32>
      %and3A_1572 = arith.constant 15 : i32
      %and3A_1573 = vector.broadcast %and3A_1572 : i32 to vector<16xi32>
      %and3A_1574 = arith.andi %add3A_1571, %and3A_1573 : vector<16xi32>
      %broadcast_in_dim3A_1575 = vector.shape_cast %and3A_1574 : vector<16xi32> to vector<16x1xi32>
      %gather3A_1576 = vector.shape_cast %broadcast_in_dim3A_1575 : vector<16x1xi32> to vector<16xi32>
      %gather3A_1577 = tpu.dynamic_gather %add3A_1567[%gather3A_1576] in [0] : vector<16xf32>, vector<16xi32> -> vector<16xf32>
      %add3A_1578 = arith.addf %add3A_1567, %gather3A_1577 : vector<16xf32>
      %iota3A_1579 = tpu.iota {dimensions = array<i32: 0>} : vector<16xi32>
      %add3A_1580 = arith.constant 2 : i32
      %add3A_1581 = vector.broadcast %add3A_1580 : i32 to vector<16xi32>
      %add3A_1582 = arith.addi %iota3A_1579, %add3A_1581 : vector<16xi32>
      %and3A_1583 = arith.constant 15 : i32
      %and3A_1584 = vector.broadcast %and3A_1583 : i32 to vector<16xi32>
      %and3A_1585 = arith.andi %add3A_1582, %and3A_1584 : vector<16xi32>
      %broadcast_in_dim3A_1586 = vector.shape_cast %and3A_1585 : vector<16xi32> to vector<16x1xi32>
      %gather3A_1587 = vector.shape_cast %broadcast_in_dim3A_1586 : vector<16x1xi32> to vector<16xi32>
      %gather3A_1588 = tpu.dynamic_gather %add3A_1578[%gather3A_1587] in [0] : vector<16xf32>, vector<16xi32> -> vector<16xf32>
      %add3A_1589 = arith.addf %add3A_1578, %gather3A_1588 : vector<16xf32>
      %iota3A_1590 = tpu.iota {dimensions = array<i32: 0>} : vector<16xi32>
      %add3A_1591 = arith.constant 1 : i32
      %add3A_1592 = vector.broadcast %add3A_1591 : i32 to vector<16xi32>
      %add3A_1593 = arith.addi %iota3A_1590, %add3A_1592 : vector<16xi32>
      %and3A_1594 = arith.constant 15 : i32
      %and3A_1595 = vector.broadcast %and3A_1594 : i32 to vector<16xi32>
      %and3A_1596 = arith.andi %add3A_1593, %and3A_1595 : vector<16xi32>
      %broadcast_in_dim3A_1597 = vector.shape_cast %and3A_1596 : vector<16xi32> to vector<16x1xi32>
      %gather3A_1598 = vector.shape_cast %broadcast_in_dim3A_1597 : vector<16x1xi32> to vector<16xi32>
      %gather3A_1599 = tpu.dynamic_gather %add3A_1589[%gather3A_1598] in [0] : vector<16xf32>, vector<16xi32> -> vector<16xf32>
      %add3A_1600 = arith.addf %add3A_1589, %gather3A_1599 : vector<16xf32>
      %mul3A_1601 = arith.constant 1.562500e-02 : f32
      %mul3A_1602 = vector.broadcast %mul3A_1601 : f32 to vector<16xf32>
      %mul3A_1603 = arith.mulf %add3A_1600, %mul3A_1602 : vector<16xf32>
      %neg3A = arith.constant 0.000000e+00 : f32
      %neg3A_1604 = vector.broadcast %neg3A : f32 to vector<16xf32>
      %neg3A_1605 = arith.subf %neg3A_1604, %mul3A_1603 : vector<16xf32>
      %exp3A = math.exp %neg3A_1605 : vector<16xf32>
      %add3A_1606 = arith.constant 1.000000e+00 : f32
      %add3A_1607 = vector.broadcast %add3A_1606 : f32 to vector<16xf32>
      %add3A_1608 = arith.addf %add3A_1607, %exp3A : vector<16xf32>
      %div3A = arith.constant 1.000000e+00 : f32
      %div3A_1609 = vector.broadcast %div3A : f32 to vector<16xf32>
      %div3A_1610 = arith.divf %div3A_1609, %add3A_1608 : vector<16xf32>
      %swap3A_1611 = arith.constant 0 : index
      %swap3A_1612 = tpu.vector_load %arg18[%swap3A_1611] {strides = array<i32>} : memref<16xf32, #tpu.memory_space<vmem>>, vector<16xf32>,
      tpu.vector_store %arg18[%swap3A_1611], %div3A_1610 {strides = array<i32>} : memref<16xf32, #tpu.memory_space<vmem>>, vector<16xf32>,
      "tpu.region"() ({
        %run_scoped3A = tpu.sem_alloc : memref<!tpu.dma_semaphore, #tpu.memory_space<semaphore_mem>>
        tpu.enqueue_dma source(%arg18 : memref<16xf32, #tpu.memory_space<vmem>>) target(%arg9 : memref<16xf32, #tpu.memory_space<hbm>>) target_semaphore(%run_scoped3A : memref<!tpu.dma_semaphore, #tpu.memory_space<semaphore_mem>>)
        tpu.wait_dma2 semaphore(%run_scoped3A : memref<!tpu.dma_semaphore, #tpu.memory_space<semaphore_mem>>) src(%arg18 : memref<16xf32, #tpu.memory_space<vmem>>) dst(%arg9 : memref<16xf32, #tpu.memory_space<hbm>>)
        tpu.yield
      }) : () -> ()
    } else {
    }
    return
  }
}

</mosaic_0001>

<sc_bundles>
// kernel: _hole_score.3.cloned.1.call-start
scs
__scs_entry_jumppad:
0x0: {  	(pc) =	sbr.rel $0x88, $3  }
0x1: {  	(tag) =	ssettag $0x0;
	lr =	simm.s32 $0x1  }
0x2: {  	[smem:$0x3F9A] =	sst lr;
	_ =	strace $0xD0000000  }
0x3: {  	_ = 	snop  }
0x4: {  	_ = 	snop  }
0x5: {  	_ = 	snop  }
0x6: {  	_ = 	snop  }
0x7: {  	_ = 	snop  }
__scs_overlays_trampoline_lowered:
0x8: {  	[smem:$0x3FA9] =	sst s0  }
0x9: {  	[smem:$0x3FAA] =	sst s1  }
0xa: {  	[smem:$0x3FAB] =	sst s2  }
0xb: {  	[smem:$0x3FAC] =	sst s3  }
0xc: {  	[smem:$0x3FAD] =	sst s4  }
0xd: {  	[smem:$0x3FAE] =	sst s5  }
0xe: {  	[smem:$0x3FAF] =	sst s6  }
0xf: {  	[smem:$0x3FB0] =	sst s7  }
0x10: {  	[smem:$0x3FB1] =	sst s8  }
0x11: {  	[smem:$0x3FB2] =	sst s9;
	s0 =	simm.s32 @!p0 $0x0  }
0x12: {  	s1 =	sld [smem:$0x3F98];
	s0 =	simm.s32 @p0 $0x1  }
0x13: {  	[smem:$0x3FB3] =	sst s0;
	s0 =	simm.s32 @!p1 $0x0  }
0x14: {  	s2 =	sld [smem:$0x3F97];
	s0 =	simm.s32 @p1 $0x1  }
0x15: {  	[smem:$0x3FB4] =	sst s0;
	s0 =	simm.s32 @!p2 $0x0  }
0x16: {  	s3 =	sld [smem:$0x3FDB];
	s0 =	simm.s32 @p2 $0x1  }
0x17: {  	s4 =	simm.s32 $0x1BF5;
	[smem:$0x3FB6] =	sst s0  }
0x18: {  	s0 =	sld [smem:$0x3F99];
	_ =	swait.ge [sflag:s4], $0x0  }
0x19: {  	s7 =	sld [smem:$0x3F9A]  }
0x1a: {  	s8 =	sadd.s32 $0xFFFFE003, lr  }
0x1b: {  	s9 =	sadd.s32 $0xFFFFFEF7, lr;
	s5 =	simm.s32 $0xFFFFFFFF;
	p2 =	slt.u32 s8, $0xFFFFF086  }
0x1c: {  	p1 =	slt.u32 s9, $0xF7A;
	s5 =	simm.s32 @!p2 $0x0  }
0x1d: {  	s5 =	simm.s32 @p1 $0x1;
	p0 =	seq.s32 s7, s2  }
0x1e: {  	s7 =	smul.u32 @!p0 $0xF7A, s2;
	p2 =	seq.s32 @!p0 s5, $0x0  }
0x1f: {  	s9 =	smul.u32 $0xF7A, s1;
	s8 =	simm.s32 @!p0 $0x1BF5;
	p2 =	por !p2, p0  }
0x20: {  	[sflag:s8] =	ssyncset.s32 @!p0 $0xFFFFF086;
	s6 =	sadd.s32 @!p0 s3, s7;
	s7 =	simm.s32 @!p0 $0x108  }
0x21: {  	s3 =	sadd.s32 s3, s9;
	s6 =	sadd.s32 @!p0 $0x88, s6;
	s7 =	simm.s32 @p2 $0x1082  }
0x22: {  	[simem:s7], [sflag:s8] =	dma.local @!p0 [hbm:s6], $0xF7A  }
0x23: {  	s9 =	sor.u32 $0xD0000000, s2;
	s6 =	simm.s32 $0x108;
	_ =	swait.ge @!p0 [sflag:s8], $0x0  }
0x24: {  	s3 =	sadd.s32 $0x88, s3;
	s6 =	simm.s32 @!p1 $0x1082;
	[sflag:s4] =	ssyncset.s32 $0xFFFFF086  }
0x25: {  	[simem:s6], [sflag:s4] =	dma.local [hbm:s3], $0xF7A  }
0x26: {  	[smem:$0x3F9A] =	sst s1;
	(tag) =	ssettag s2;
	_ =	strace s9  }
0x27: {  	s1 =	sld [smem:$0x3FAA]  }
0x28: {  	s2 =	sld [smem:$0x3FAB]  }
0x29: {  	s4 =	sld [smem:$0x3FAD]  }
0x2a: {  	p0 =	seq.s32 s5, $0x0;
	s5 =	sld [smem:$0x3FAE]  }
0x2b: {  	s6 =	sld [smem:$0x3FAF]  }
0x2c: {  	s7 =	sld [smem:$0x3FB0]  }
0x2d: {  	s3 =	simm.s32 $0x108;
	s8 =	sld [smem:$0x3FB1]  }
0x2e: {  	s3 =	simm.s32 @!p0 $0x1082;
	s9 =	sld [smem:$0x3FB2]  }
0x2f: {  	lr =	sadd.s32 s0, s3;
	s0 =	sld [smem:$0x3FA9]  }
0x30: {  	s3 =	sld [smem:$0x3FAC]  }
0x31: {  	[smem:$0x3FB5] =	sst s10  }
0x32: {  	s10 =	sld [smem:$0x3FB3];
	_ =	sdelay $0x3  }
0x33: {  	p0 =	seq.s32 s10, $0x1;
	s10 =	sld [smem:$0x3FB5];
	_ =	sdelay $0x3  }
0x34: {  	[smem:$0x3FB5] =	sst s10  }
0x35: {  	s10 =	sld [smem:$0x3FB4];
	_ =	sdelay $0x3  }
0x36: {  	p1 =	seq.s32 s10, $0x1;
	s10 =	sld [smem:$0x3FB5];
	_ =	sdelay $0x3  }
0x37: {  	[smem:$0x3FB5] =	sst s10  }
0x38: {  	s10 =	sld [smem:$0x3FB6]  }
0x39: {  	_ = 	snop;
	(pc) =	sbr.ind lr, $3  }
0x3a: {  	_ = 	snop  }
0x3b: {  	_ = 	snop  }
0x3c: {  	p2 =	seq.s32 s10, $0x1;
	s10 =	sld [smem:$0x3FB5]  }
0x3d: {  	_ =	shalt  }
0x3e: {  	_ =	shalt  }
0x3f: {  	_ =	shalt  }
0x40: {  	_ =	shalt  }
0x41: {  	_ =	shalt  }
0x42: {  	_ =	shalt  }
0x43: {  	_ =	shalt  }
0x44: {  	_ =	shalt  }
0x45: {  	_ =	shalt  }
0x46: {  	_ =	shalt  }
0x47: {  	_ =	shalt  }
0x48: {  	_ =	shalt  }
0x49: {  	_ =	shalt  }
0x4a: {  	_ =	shalt  }
0x4b: {  	_ =	shalt  }
0x4c: {  	_ =	shalt  }
0x4d: {  	_ =	shalt  }
0x4e: {  	_ =	shalt  }
0x4f: {  	_ =	shalt  }
0x50: {  	_ =	shalt  }
0x51: {  	_ =	shalt  }
0x52: {  	_ =	shalt  }
0x53: {  	_ =	shalt  }
0x54: {  	_ =	shalt  }
0x55: {  	_ =	shalt  }
0x56: {  	_ =	shalt  }
0x57: {  	_ =	shalt  }
0x58: {  	_ =	shalt  }
0x59: {  	_ =	shalt  }
0x5a: {  	_ =	shalt  }
0x5b: {  	_ =	shalt  }
0x5c: {  	_ =	shalt  }
0x5d: {  	_ =	shalt  }
0x5e: {  	_ =	shalt  }
0x5f: {  	_ =	shalt  }
0x60: {  	_ =	shalt  }
0x61: {  	_ =	shalt  }
0x62: {  	_ =	shalt  }
0x63: {  	_ =	shalt  }
0x64: {  	_ =	shalt  }
0x65: {  	_ =	shalt  }
0x66: {  	_ =	shalt  }
0x67: {  	_ =	shalt  }
0x68: {  	_ =	shalt  }
0x69: {  	_ =	shalt  }
0x6a: {  	_ =	shalt  }
0x6b: {  	_ =	shalt  }
0x6c: {  	_ =	shalt  }
0x6d: {  	_ =	shalt  }
0x6e: {  	_ =	shalt  }
0x6f: {  	_ =	shalt  }
0x70: {  	_ =	shalt  }
0x71: {  	_ =	shalt  }
0x72: {  	_ =	shalt  }
0x73: {  	_ =	shalt  }
0x74: {  	_ =	shalt  }
0x75: {  	_ =	shalt  }
0x76: {  	_ =	shalt  }
0x77: {  	_ =	shalt  }
0x78: {  	_ =	shalt  }
0x79: {  	_ =	shalt  }
0x7a: {  	_ =	shalt  }
0x7b: {  	_ =	shalt  }
0x7c: {  	_ =	shalt  }
0x7d: {  	_ =	shalt  }
0x7e: {  	_ =	shalt  }
0x7f: {  	_ =	shalt  }
0x80: {  	_ =	shalt  }
0x81: {  	_ =	shalt  }
0x82: {  	_ =	shalt  }
0x83: {  	_ =	shalt  }
0x84: {  	_ =	shalt  }
0x85: {  	_ =	shalt  }
0x86: {  	_ =	shalt  }
0x87: {  	_ =	shalt  }
.Lfunc_end0:
.L_simem_size_0:
called_computation_lowered:
.L_overlay_start_0:
0x88: {  	s0 =	sld [smem:$0x3FD9]  }
0x89: {  	s1 =	sld [smem:$0x3FFE];
	_ =	sdelay $0x3  }
0x8a: {  	s0 =	sadd.s32 s1, s0  }
0x8b: {  	[smem:$0x3FC1] =	sst s0  }
0x8c: {  	_ = 	snop  }
0x8d: {  	s0 =	sld [smem:$0x3FC9]  }
0x8e: {  	s17 =	sld [smem:$0x3FC8]  }
0x8f: {  	s2 =	sld [smem:$0x3FC7]  }
0x90: {  	s3 =	sld [smem:$0x3FC6]  }
0x91: {  	s4 =	sld [smem:$0x3FC5]  }
0x92: {  	s5 =	sld [smem:$0x3FC4]  }
0x93: {  	s6 =	sld [smem:$0x3FC3]  }
0x94: {  	s7 =	sld [smem:$0x3FD0];
	(tm) =	ssettm $0x1  }
0x95: {  	s8 =	sld [smem:$0x3FFB];
	_ =	sdelay $0x3  }
0x96: {  	_ =	strace s8  }
0x97: {  	s8 =	sld [smem:$0x3FFC];
	_ =	sdelay $0x3  }
0x98: {  	_ =	strace s8  }
0x99: {  	s8 =	sld [smem:$0x3FFD];
	_ =	sdelay $0x3  }
0x9a: {  	_ =	strace s8  }
0x9b: {  	_ =	strace $0x8FFFFFFF  }
0x9c: {  	s18 =	sld [smem:$0x3FDB];
	_ =	sdelay $0x1  }
0x9d: {  	s9 =	simm.s32 $_scs_section_size  }
0x9e: {  	s10 =	simm.s32 $_size__tile_overlayer_lowered;
	s11 =	simm.s32 $_tile_overlayer_lowered  }
0x9f: {  	s21 =	simm.s32 $0x1BFF;
	s20 =	sshll.u32 s11, $0x1;
	s8 =	sadd.s32 s9, s18  }
0xa0: {  	s12 =	simm.s32 $0x0;
	s19 =	sshll.u32 s10, $0x1;
	s10 =	sadd.s32 s20, s8  }
0xa1: {  	[timem:s12], [sflag:s21] =	dma.local [hbm:s10], s19  }
0xa2: {  	_ =	swait.ge [sflag:s21], s19  }
0xa3: {  	s9 =	ssub.s32 $0x0, s19;
	[sflag:s21] =	ssyncset.done $0x0  }
0xa4: {  	[sflag:s21] =	ssyncadd.s32 s9;
	_ =	sdelay $0x1  }
0xa5: {  	s22 =	simm.s32 $0x1B8B  }
0xa6: {  	_ =	swait.ge [sflag:s22], $0x1  }
0xa7: {  	[sflag:s22] =	ssyncset.done $0x0  }
0xa8: {  	s23 =	simm.s32 $0x1B8E;
	[sflag:s22] =	ssyncadd.s32 $0xFFFFFFFF  }
0xa9: {  	s24 =	simm.s32 $execute0_lowered;
	[smem:$0x3FD2] =	sst s23  }
0xaa: {  	s9 =	sshll.u32 s24, $0x1;
	_ =	strace $0x80000046;
	[dreg:$0x1] =	wrdreg $0xFFFFFFFF  }
0xab: {  	s25 =	simm.s32 $_size_execute0_lowered;
	s8 =	sadd.s32 s8, s9;
	[dreg:$0x0] =	wrdreg $0x0  }
0xac: {  	s9 =	sshll.u32 s25, $0x1;
	[dreg:$0x2] =	wrdreg s8  }
0xad: {  	[dreg:$0x3] =	wrdreg s9  }
0xae: {  	[dreg:$0x4] =	wrdreg $0xC0  }
0xaf: {  	_ =	task [dreg:s12], $0x5FFFF  }
0xb0: {  	[dreg:$0x1] =	wrdreg $0xFFFFFFFF  }
0xb1: {  	[dreg:$0x0] =	wrdreg $0x60  }
0xb2: {  	[dreg:$0x2] =	wrdreg s0  }
0xb3: {  	[dreg:$0x3] =	wrdreg s17  }
0xb4: {  	[dreg:$0x4] =	wrdreg s2  }
0xb5: {  	[dreg:$0x5] =	wrdreg s3  }
0xb6: {  	[dreg:$0x6] =	wrdreg s4  }
0xb7: {  	[dreg:$0x7] =	wrdreg s5  }
0xb8: {  	[dreg:$0x8] =	wrdreg s6  }
0xb9: {  	[dreg:$0x9] =	wrdreg s7  }
0xba: {  	[dreg:$0xa] =	wrdreg $0x9  }
0xbb: {  	_ =	task.clear_ibuf [dreg:s12], $0xBFFFF;
	_ =	strace $0x90000046  }
0xbc: {  	s26 =	simm.s32 $0x9;
	_ =	strace $0x80000048  }
0xbd: {  	_ =	swait.ge [sflag:s26], $0x1  }
0xbe: {  	[sflag:s26] =	ssyncadd.s32 $0xFFFFFFFF  }
0xbf: {  	_ =	strace $0x90000048  }
0xc0: {  	_ =	sfence  }
0xc1: {  	s28 =	sld [smem:$0x0];
	_ =	sdelay $0x1  }
0xc2: {  	s29 =	srdreg.scid  }
0xc3: {  	s30 =	sshll.u32 s29, $0xD;
	s31 =	sshrl.u32 s29, $0x2  }
0xc4: {  	s1 =	sand.u32 $0x1, s29;
	s2 =	sand.u32 $0x4000, s30;
	s0 =	sadd.s32 s31, s28  }
0xc5: {  	s1 =	sor.u32 s2, s1;
	s0 =	sshll.u32 s0, $0x11  }
0xc6: {  	s0 =	sor.u32 s0, s1  }
0xc7: {  	s0 =	sadd.s32 $0x8F2B, s0  }
0xc8: {  	[sflag:s0] =	ssyncadd.remote.s32 $0x1  }
0xc9: {  	_ =	sfence.sel $0xFFFF  }
0xca: {  	[dreg:$0x0] =	wrdreg $0xFFFFFFFF;
	(pc) =	sbr.abs _section_cstart, $3  }
0xcb: {  	[dreg:$0x1] =	wrdreg $0xFFFFFFFF  }
0xcc: {  	_ =	task.clear_ibuf [dreg:s12], $0x2FFFF;
	_ =	strace $0x9FFFFFFF  }
0xcd: {  	(tm) =	ssettm $0x7FFFFFFF  }
tec
execute0_lowered:
.L_overlay_start_1:
0x0: {  	(tag) =	ssettag $0x1  }
0x1: {  	s9 =	rddreg [dreg:$0x0]  }
0x2: {  	s8 =	rddreg [dreg:$0x1]  }
0x3: {  	s3 =	rddreg [dreg:$0x2]  }
0x4: {  	s7 =	rddreg [dreg:$0x3];
	s10 =	stileid.u32  }
0x5: {  	s5 =	rddreg [dreg:$0x4];
	p0 =	sne.s32 s10, $0x0  }
.Ltmp0:
0x6: {  	s6 =	rddreg [dreg:$0x5];
	(pc) =	sbr.rel @p0 .LBB2_2-.Ltmp0, $4  }
0x7: {  	s4 =	rddreg [dreg:$0x6]  }
0x8: {  	s1 =	rddreg [dreg:$0x7];
	s2 =	simm.s32 $0x0  }
0x9: {  	[smem:$0x7FF] =	sst s2  }
0xa: {  	s0 =	rddreg [dreg:$0x8];
	_ =	strace $0x80000047  }
0xb: {  	[tilespmem:s2], [sflag:$0x1] =	stream.linear.gather [hbm4b:s9+s2], $0x1, $0x38;
	[tilespmem:$0xC180] =	vst v63  }
0xc: {  	s28 =	simm.s32 $0x8  }
0xd: {  	[tilespmem:s28], [sflag:$0x1] =	stream.linear.gather [hbm4b:s8+s2], $0x1, $0x38;
	[tilespmem:$0xC180] =	vst v63  }
0xe: {  	s29 =	simm.s32 $0x10;
	s30 =	simm.s32 $0x1  }
0xf: {  	[tilespmem:s29], [sflag:$0x1] =	stream.linear.gather [hbm4b:s3+s2], $0x1, $0x38;
	[tilespmem:$0xC180] =	vst v63  }
0x10: {  	_ =	swait.ge [sflag:s30], $0x1  }
0x11: {  	[sflag:s30] =	ssyncset.done $0x0  }
0x12: {  	[sflag:s30] =	ssyncadd.s32 $0xFFFFFFFF  }
0x13: {  	_ =	swait.ge [sflag:s30], $0x1  }
0x14: {  	[sflag:s30] =	ssyncset.done $0x0  }
0x15: {  	[sflag:s30] =	ssyncadd.s32 $0xFFFFFFFF  }
0x16: {  	_ =	swait.ge [sflag:s30], $0x1  }
0x17: {  	[sflag:s30] =	ssyncset.done $0x0  }
0x18: {  	[sflag:s30] =	ssyncadd.s32 $0xFFFFFFFF  }
0x19: {  	v0 =	vld [tilespmem:$0x0];
	_ =	sdelay $0x4  }
0x1a: {  	(v2sf) =	vpush v0, $0x0  }
0x1b: {  	v1 =	vld [tilespmem:$0x10]  }
0x1c: {  	(v2sf) =	vpush v0, $0x8;
	_ =	sdelay $0x3  }
0x1d: {  	(v2sf) =	vpush v1, $0x0;
	_ =	sdelay $0x8  }
0x1e: {  	s31 =	spop (v2sf)  }
0x1f: {  	s11 =	simm.s32 $0x400;
	s12 =	simm.s32 $0xC3800;
	s16 =	sand.u32 $0xFFFFF80, s31  }
0x20: {  	s13 =	simm.s32 $0x80;
	s17 =	spop (v2sf);
	s10 =	sadd.s32 s7, s16  }
0x21: {  	[tilespmem:s13], [sflag:$0x1] =	stream.strided.gather [hbm4b:s10+s11], $0x2000, s12, s11, $0x38;
	[tilespmem:$0xC180] =	vst v63  }
0x22: {  	s14 =	simm.s32 $0x2080;
	s9 =	sadd.s32 s5, s16;
	s18 =	sand.u32 $0xFFFFF80, s17  }
0x23: {  	[tilespmem:s14], [sflag:$0x1] =	stream.strided.gather [hbm4b:s9+s11], $0x2000, s12, s11, $0x38;
	[tilespmem:$0xC180] =	vst v63  }
0x24: {  	s15 =	simm.s32 $0x4080;
	s20 =	spop (v2sf);
	s19 =	sadd.s32 s7, s18  }
0x25: {  	[tilespmem:s15], [sflag:$0x1] =	stream.strided.gather [hbm4b:s19+s11], $0x2000, s12, s11, $0x38;
	[tilespmem:$0xC180] =	vst v63  }
0x26: {  	s21 =	simm.s32 $0x6080;
	s22 =	sand.u32 $0xFFFFF80, s20;
	s9 =	sadd.s32 s5, s18  }
0x27: {  	[tilespmem:s21], [sflag:$0x1] =	stream.strided.gather [hbm4b:s9+s11], $0x2000, s12, s11, $0x38;
	[tilespmem:$0xC180] =	vst v63  }
0x28: {  	s23 =	simm.s32 $0x2000;
	s16 =	simm.s32 $0x8080;
	s6 =	sadd.s32 s6, s22  }
0x29: {  	[tilespmem:s16], [sflag:$0x1] =	stream.strided.gather [hbm4b:s6+s11], $0x2000, s23, s11, $0x38;
	[tilespmem:$0xC180] =	vst v63  }
0x2a: {  	s25 =	simm.s32 $0xA080;
	s24 =	sadd.s32 s4, s22  }
0x2b: {  	[tilespmem:s25], [sflag:$0x1] =	stream.strided.gather [hbm4b:s24+s11], $0x2000, s23, s11, $0x38;
	[tilespmem:$0xC180] =	vst v63  }
0x2c: {  	_ =	swait.ge [sflag:s30], $0x2000  }
0x2d: {  	[sflag:s30] =	ssyncset.done $0x0  }
0x2e: {  	[sflag:s30] =	ssyncadd.s32 $0xFFFFE000  }
0x2f: {  	_ =	swait.ge [sflag:s30], $0x2000  }
0x30: {  	[sflag:s30] =	ssyncset.done $0x0  }
0x31: {  	[sflag:s30] =	ssyncadd.s32 $0xFFFFE000  }
0x32: {  	_ =	swait.ge [sflag:s30], $0x2000  }
0x33: {  	[sflag:s30] =	ssyncset.done $0x0  }
0x34: {  	[sflag:s30] =	ssyncadd.s32 $0xFFFFE000  }
0x35: {  	_ =	swait.ge [sflag:s30], $0x2000  }
0x36: {  	v43 =	vlaneseq.u32;
	[sflag:s30] =	ssyncset.done $0x0  }
0x37: {  	v54 =	vmul.u32 $0x80, v43;
	[sflag:s30] =	ssyncadd.s32 $0xFFFFE000  }
0x38: {  	s26 =	sand.u32 $0x7F, s31;
	_ =	swait.ge [sflag:s30], $0x2000  }
0x39: {  	v3 =	vor.u32 $0x800, v54;
	v2 =	vor.u32 s26, v54;
	[sflag:s30] =	ssyncset.done $0x0  }
0x3a: {  	v5 =	vor.u32 $0x1000, v54;
	v4 =	vor.u32 s26, v3;
	[sflag:s30] =	ssyncadd.s32 $0xFFFFE000  }
0x3b: {  	v7 =	vor.u32 $0x1800, v54;
	v6 =	vor.u32 s26, v5;
	_ =	swait.ge [sflag:s30], $0x2000  }
0x3c: {  	v8 =	vor.u32 s26, v7;
	[sflag:s30] =	ssyncset.done $0x0  }
0x3d: {  	[sflag:s30] =	ssyncadd.s32 $0xFFFFE000  }
0x3e: {  	v9 =	vld.idx.msk [tilespmem:v2+s13+$0x0], $0xffff  }
0x3f: {  	v11 =	vld.idx.msk [tilespmem:v4+s13+$0x0], $0xffff  }
0x40: {  	s28 =	sand.u32 $0x7F, s17;
	v13 =	vld.idx.msk [tilespmem:v6+s13+$0x0], $0xffff  }
0x41: {  	v55 =	vor.u32 s28, v54;
	v10 =	vld.idx.msk [tilespmem:v8+s13+$0x0], $0xffff  }
0x42: {  	v12 =	vor.u32 s28, v3;
	v2 =	vld.idx.msk [tilespmem:v2+s14+$0x0], $0xffff  }
0x43: {  	v14 =	vor.u32 s28, v5;
	v4 =	vld.idx.msk [tilespmem:v4+s14+$0x0], $0xffff  }
0x44: {  	v15 =	vor.u32 s28, v7;
	v6 =	vld.idx.msk [tilespmem:v6+s14+$0x0], $0xffff  }
0x45: {  	v8 =	vld.idx.msk [tilespmem:v8+s14+$0x0], $0xffff  }
0x46: {  	v56 =	vld.idx.msk [tilespmem:v55+s15+$0x0], $0xffff  }
0x47: {  	s29 =	sand.u32 $0x7F, s20;
	v16 =	vld.idx.msk [tilespmem:v12+s15+$0x0], $0xffff  }
0x48: {  	v1 =	vor.u32 s29, v54;
	v17 =	vld.idx.msk [tilespmem:v14+s15+$0x0], $0xffff  }
0x49: {  	v3 =	vor.u32 s29, v3;
	v18 =	vld.idx.msk [tilespmem:v15+s15+$0x0], $0xffff  }
0x4a: {  	v5 =	vor.u32 s29, v5;
	v12 =	vld.idx.msk [tilespmem:v12+s21+$0x0], $0xffff  }
0x4b: {  	v7 =	vor.u32 s29, v7;
	v19 =	vld.idx.msk [tilespmem:v14+s21+$0x0], $0xffff  }
0x4c: {  	v20 =	vld.idx.msk [tilespmem:v15+s21+$0x0], $0xffff  }
0x4d: {  	v21 =	vld.idx.msk [tilespmem:v1+s16+$0x0], $0xffff  }
0x4e: {  	v22 =	vld.idx.msk [tilespmem:v3+s16+$0x0], $0xffff  }
0x4f: {  	v23 =	vld.idx.msk [tilespmem:v5+s16+$0x0], $0xffff  }
0x50: {  	v24 =	vld.idx.msk [tilespmem:v7+s16+$0x0], $0xffff  }
0x51: {  	v1 =	vld.idx.msk [tilespmem:v1+s25+$0x0], $0xffff  }
0x52: {  	v3 =	vld.idx.msk [tilespmem:v3+s25+$0x0], $0xffff  }
0x53: {  	v5 =	vld.idx.msk [tilespmem:v5+s25+$0x0], $0xffff;
	v15 =	vadd.f32 v12, v16  }
0x54: {  	v7 =	vld.idx.msk [tilespmem:v7+s25+$0x0], $0xffff;
	[tilespmem:$0x1FFD0] =	vst v10;
	v47 =	vadd.f32 v19, v17  }
0x55: {  	v10 =	vld.idx.msk [tilespmem:v55+s21+$0x0], $0xffff;
	v51 =	vadd.f32 v20, v18;
	[tilespmem:$0xC090] =	vst v15  }
0x56: {  	[tilespmem:$0xC0A0] =	vst v47  }
0x57: {  	[tilespmem:$0xC0B0] =	vst v51;
	v16 =	vld [tilespmem:$0xC091]  }
0x58: {  	v58 =	vld [tilespmem:$0xC0A1]  }
0x59: {  	v19 =	vld [tilespmem:$0xC092]  }
0x5a: {  	v25 =	vld [tilespmem:$0xC0A2]  }
0x5b: {  	v63 =	vld [tilespmem:$0xC093]  }
0x5c: {  	v26 =	vld [tilespmem:$0xC0A3]  }
0x5d: {  	v29 =	vld [tilespmem:$0xC094]  }
0x5e: {  	v55 =	vld [tilespmem:$0xC0A4]  }
0x5f: {  	v17 =	vld [tilespmem:$0xC095]  }
0x60: {  	v0 =	vmul.u32 $0xFFFFFFFF, v43;
	v27 =	vld [tilespmem:$0xC0A5]  }
0x61: {  	v7 =	vadd.f32 v7, v24;
	v14 =	vld [tilespmem:$0xC097];
	v50 =	vadd.f32 v10, v56  }
0x62: {  	v0 =	vadd.s32 $0xF, v0;
	[tilespmem:$0x1FFE0] =	vst v8;
	v48 =	vld [tilespmem:$0xC0A7]  }
0x63: {  	v53 =	vadd.f32 v6, v13;
	v8 =	vperm.xlane v7, v0;
	v13 =	vld [tilespmem:$0xC098];
	[tilespmem:$0xC080] =	vst v50  }
0x64: {  	v39 =	vimm.s32 $0x0;
	[tilespmem:$0xC0C0] =	vst v50;
	v57 =	vld [tilespmem:$0xC081]  }
0x65: {  	v37 =	vimm.s32 $0x1;
	v44 =	vimm.s32 $0x2;
	[tilespmem:$0x1FE40] =	vst v0;
	v0 =	vperm.xlane v8, v39;
	v59 =	vld [tilespmem:$0xC0B1]  }
0x66: {  	v2 =	vadd.f32 v2, v9;
	v35 =	vadd.f32 v3, v22;
	v3 =	vperm.xlane v8, v37;
	v32 =	vld [tilespmem:$0xC082]  }
0x67: {  	v1 =	vadd.f32 v1, v21;
	v33 =	vld [tilespmem:$0xC0B2];
	v36 =	vmul.f32 v16, v0;
	v41 =	vmul.f32 v58, v0  }
0x68: {  	v60 =	vadd.f32 v5, v23;
	[tilespmem:$0x1FFB0] =	vst v2;
	v45 =	vperm.xlane v8, v44;
	v34 =	vld [tilespmem:$0xC083];
	v43 =	vmul.f32 v19, v3  }
0x69: {  	[tilespmem:$0x1FFF0] =	vst v53;
	v10 =	vld [tilespmem:$0xC0B3];
	v56 =	vmul.f32 v25, v3;
	v2 =	vadd.f32 $0.0e+00, v36;
	v5 =	vadd.f32 $0.0e+00, v41  }
0x6a: {  	v52 =	vadd.f32 v4, v11;
	[tilespmem:$0x1FE80] =	vst v26;
	v40 =	vld [tilespmem:$0xC084];
	v61 =	vmul.f32 v63, v45;
	v26 =	vmul.f32 v26, v45  }
0x6b: {  	[tilespmem:$0x1FF80] =	vst v1;
	v38 =	vld [tilespmem:$0xC0B4];
	v2 =	vadd.f32 v43, v2;
	v5 =	vadd.f32 v56, v5;
	v54 =	vmul.f32 v57, v0  }
0x6c: {  	v39 =	vld [tilespmem:$0xC085];
	[tilespmem:$0x1FE60] =	vst v59;
	v0 =	vmul.f32 v59, v0;
	v42 =	vmul.f32 v32, v3;
	v59 =	vimm.s32 $0x3  }
0x6d: {  	[tilespmem:$0x1FEF0] =	vst v35;
	v53 =	vld [tilespmem:$0xC0A8];
	v43 =	vimm.s32 $0x6;
	v3 =	vmul.f32 v33, v3;
	v62 =	vperm.xlane v8, v59  }
0x6e: {  	[tilespmem:$0x1FE50] =	vst v58;
	v46 =	vld [tilespmem:$0xC0B5];
	v58 =	vmul.f32 v34, v45;
	v18 =	vmul.f32 v10, v45;
	v32 =	vimm.s32 $0x4  }
0x6f: {  	v23 =	vmovc v25;
	v25 =	vld [tilespmem:$0xC096];
	v2 =	vadd.f32 v61, v2;
	v34 =	vperm.xlane v8, v32;
	v7 =	vmul.f32 v40, v62  }
0x70: {  	[tilespmem:$0x1FEA0] =	vst v55;
	v49 =	vld [tilespmem:$0xC0B6];
	v1 =	vadd.f32 $0.0e+00, v54;
	v31 =	vmul.f32 v29, v62;
	v35 =	vmul.f32 v55, v62  }
0x71: {  	[tilespmem:$0x1FE70] =	vst v33;
	v57 =	vld [tilespmem:$0xC086];
	v0 =	vadd.f32 $0.0e+00, v0;
	v36 =	vmul.f32 v38, v62;
	v4 =	vmul.f32 v39, v34  }
0x72: {  	[tilespmem:$0x1FEB0] =	vst v38;
	v33 =	vld [tilespmem:$0xC0A6];
	v37 =	vmul.f32 v17, v34;
	v38 =	vimm.s32 $0x5;
	v40 =	vmul.f32 v27, v34  }
0x73: {  	[tilespmem:$0x1FEC0] =	vst v27;
	v28 =	vld [tilespmem:$0xC087];
	v41 =	vmul.f32 v46, v34;
	v55 =	vimm.s32 $0x9;
	v27 =	vimm.s32 $0xB  }
0x74: {  	[tilespmem:$0x1FFC0] =	vst v52;
	v52 =	vld [tilespmem:$0xC0AA];
	v1 =	vadd.f32 v42, v1;
	v0 =	vadd.f32 v3, v0;
	v39 =	vperm.xlane v8, v38  }
0x75: {  	v9 =	vld [tilespmem:$0xC0AC];
	v3 =	vadd.f32 v26, v5;
	v2 =	vadd.f32 v31, v2;
	v31 =	vperm.xlane v8, v43  }
0x76: {  	v30 =	vld [tilespmem:$0xC088];
	v1 =	vadd.f32 v58, v1;
	v0 =	vadd.f32 v18, v0;
	v22 =	vmul.f32 v57, v39  }
0x77: {  	[tilespmem:$0x1FED0] =	vst v46;
	v42 =	vld [tilespmem:$0xC0B7];
	v3 =	vadd.f32 v35, v3;
	v45 =	vmul.f32 v25, v39;
	v46 =	vmul.f32 v33, v39  }
0x78: {  	v44 =	vld [tilespmem:$0xC0B8];
	v61 =	vmul.f32 v49, v39;
	v18 =	vimm.s32 $0x7;
	v62 =	vmul.f32 v28, v31  }
0x79: {  	v20 =	vld [tilespmem:$0xC0B9];
	v2 =	vadd.f32 v37, v2;
	v12 =	vmul.f32 v14, v31;
	v21 =	vperm.xlane v8, v18  }
0x7a: {  	v56 =	vld [tilespmem:$0xC0AB];
	v37 =	vmul.f32 v48, v31;
	v28 =	vperm.xlane v8, v27;
	v1 =	vadd.f32 v7, v1  }
0x7b: {  	v32 =	vld [tilespmem:$0xC089];
	v27 =	vimm.s32 $0xD;
	v0 =	vadd.f32 v36, v0;
	v3 =	vadd.f32 v40, v3  }
0x7c: {  	v54 =	vld [tilespmem:$0xC0A9];
	v2 =	vadd.f32 v45, v2;
	v38 =	vmul.f32 v42, v31;
	v39 =	vmul.f32 v30, v21  }
0x7d: {  	v58 =	vld [tilespmem:$0xC099];
	v40 =	vmul.f32 v13, v21;
	v45 =	vmul.f32 v53, v21;
	v1 =	vadd.f32 v4, v1  }
0x7e: {  	v59 =	vld [tilespmem:$0xC09A];
	v0 =	vadd.f32 v41, v0;
	v3 =	vadd.f32 v46, v3;
	v41 =	vimm.s32 $0x8  }
0x7f: {  	v26 =	vld [tilespmem:$0xC0BC];
	v4 =	vmul.f32 v44, v21;
	v2 =	vadd.f32 v12, v2;
	v34 =	vperm.xlane v8, v41  }
0x80: {  	v43 =	vld [tilespmem:$0xC0BA];
	v21 =	vimm.s32 $0xA;
	v1 =	vadd.f32 v22, v1;
	v0 =	vadd.f32 v61, v0  }
0x81: {  	v22 =	vld [tilespmem:$0xC08A];
	v3 =	vadd.f32 v37, v3;
	v37 =	vperm.xlane v8, v55;
	v46 =	vmul.f32 v32, v34  }
0x82: {  	v35 =	vld [tilespmem:$0xC08B];
	v2 =	vadd.f32 v40, v2;
	v36 =	vmul.f32 v58, v34;
	v57 =	vmul.f32 v54, v34  }
0x83: {  	v12 =	vld [tilespmem:$0xC09B];
	v18 =	vmul.f32 v20, v34;
	v1 =	vadd.f32 v62, v1;
	v0 =	vadd.f32 v38, v0  }
0x84: {  	v61 =	vld [tilespmem:$0xC0BB];
	v3 =	vadd.f32 v45, v3;
	v38 =	vmul.f32 v59, v37;
	v2 =	vadd.f32 v36, v2  }
0x85: {  	[tilespmem:$0x1FEE0] =	vst v33;
	v45 =	vld [tilespmem:$0xC09C];
	v24 =	vmul.f32 v52, v37;
	v1 =	vadd.f32 v39, v1;
	v0 =	vadd.f32 v4, v0  }
0x86: {  	v34 =	vmovc v20;
	v20 =	vld [tilespmem:$0xC08C];
	v3 =	vadd.f32 v57, v3;
	v33 =	vmul.f32 v22, v37;
	v22 =	vperm.xlane v8, v21  }
0x87: {  	[tilespmem:$0x1FE90] =	vst v10;
	v7 =	vld [tilespmem:$0xC0BE];
	v2 =	vadd.f32 v38, v2;
	v37 =	vmul.f32 v43, v37;
	v21 =	vmul.f32 v9, v28  }
0x88: {  	v10 =	vmovc v44;
	v44 =	vld [tilespmem:$0xC09D];
	v1 =	vadd.f32 v46, v1;
	v0 =	vadd.f32 v18, v0;
	v39 =	vmul.f32 v35, v22  }
0x89: {  	v41 =	vld [tilespmem:$0xC08D];
	v38 =	vadd.f32 v24, v3;
	v40 =	vmul.f32 v12, v22;
	v62 =	vmul.f32 v56, v22  }
0x8a: {  	v55 =	vld [tilespmem:$0xC0AD];
	v18 =	vmul.f32 v61, v22;
	v57 =	vmul.f32 v45, v28;
	v1 =	vadd.f32 v33, v1  }
0x8b: {  	v11 =	vmovc v56;
	[tilespmem:$0x1FF40] =	vst v56;
	v31 =	vmovc v43;
	v43 =	vld [tilespmem:$0xC09E];
	v0 =	vadd.f32 v37, v0;
	v56 =	vmul.f32 v20, v28;
	v20 =	vimm.s32 $0xC  }
0x8c: {  	v46 =	vld [tilespmem:$0xC0BD];
	v30 =	vadd.f32 v40, v2;
	v33 =	vmovc v61;
	v38 =	vadd.f32 v62, v38;
	v61 =	vperm.xlane v8, v20  }
0x8d: {  	v22 =	vmul.f32 v26, v28;
	v62 =	vld [tilespmem:$0xC08E];
	v1 =	vadd.f32 v39, v1;
	v0 =	vadd.f32 v18, v0  }
0x8e: {  	v28 =	vld [tilespmem:$0xC08F];
	v39 =	vadd.f32 v57, v30;
	v41 =	vmul.f32 v41, v61;
	v24 =	vadd.f32 v21, v38  }
0x8f: {  	v35 =	vmovc v26;
	v26 =	vmul.f32 v44, v61;
	v32 =	vmul.f32 v55, v61;
	v1 =	vadd.f32 v56, v1;
	v56 =	vld [tilespmem:$0xC0AE]  }
0x90: {  	v36 =	vld [tilespmem:$0xC09F];
	v21 =	vimm.s32 $0xE;
	v5 =	vadd.f32 v22, v0;
	v0 =	vperm.xlane v8, v27  }
0x91: {  	v37 =	vimm.s32 $0xF;
	v61 =	vmul.f32 v46, v61;
	v57 =	vld [tilespmem:$0xC0AF];
	v18 =	vperm.xlane v8, v21  }
0x92: {  	v21 =	vld [tilespmem:$0x1FE40];
	v30 =	vadd.f32 v26, v39;
	v41 =	vadd.f32 v41, v1;
	v62 =	vmul.f32 v62, v0  }
0x93: {  	v4 =	vadd.f32 v32, v24;
	v26 =	vld [tilespmem:$0xC0BF];
	v2 =	vmul.f32 v43, v0;
	v5 =	vadd.f32 v61, v5  }
0x94: {  	v28 =	vmul.f32 v28, v18;
	v27 =	vadd.f32 v62, v41;
	v22 =	vmul.f32 v56, v0  }
0x95: {  	v32 =	vmul.f32 v36, v18;
	v2 =	vadd.f32 v2, v30;
	v0 =	vmul.f32 v7, v0  }
0x96: {  	v38 =	vmul.f32 v57, v18;
	v3 =	vadd.f32 v28, v27;
	v1 =	vadd.f32 v22, v4  }
0x97: {  	v30 =	vadd.f32 v0, v5;
	v5 =	vperm.xlane v8, v37;
	v0 =	vperm.xlane v60, v21  }
0x98: {  	[tilespmem:$0xC0D0] =	vst v15;
	v39 =	vmul.f32 v26, v18;
	v27 =	vimm.s32 $0x0;
	v1 =	vadd.f32 v38, v1;
	v38 =	vld [tilespmem:$0x1FE50]  }
0x99: {  	v2 =	vadd.f32 v32, v2;
	v60 =	vld [tilespmem:$0xC0C1];
	v40 =	vmul.f32 v5, v15;
	v28 =	vperm.xlane v0, v27  }
0x9a: {  	v20 =	vmovc v51;
	v22 =	vld [tilespmem:$0x1FE60];
	v41 =	vmul.f32 v5, v47;
	v24 =	vmul.f32 v5, v51;
	v51 =	vimm.s32 $0x1  }
0x9b: {  	v3 =	vadd.f32 v40, v3;
	v40 =	vmul.f32 v28, v16;
	v16 =	vperm.xlane v0, v51  }
0x9c: {  	v4 =	vadd.f32 v39, v30;
	v5 =	vmul.f32 v5, v50  }
0x9d: {  	v27 =	vmovc v23;
	v2 =	vadd.f32 v41, v2;
	v37 =	vmul.f32 v16, v23;
	v23 =	vld [tilespmem:$0x1FE70];
	v41 =	vmul.f32 v28, v38  }
0x9e: {  	[tilespmem:$0x1FF90] =	vst v50;
	v61 =	vld [tilespmem:$0xC0C2];
	v1 =	vadd.f32 v24, v1;
	v4 =	vadd.f32 v5, v4  }
0x9f: {  	v62 =	vld [tilespmem:$0xC0C3];
	v32 =	vmovc v50;
	v50 =	vmul.f32 v28, v22;
	v18 =	vmul.f32 v60, v28;
	v2 =	vadd.f32 v41, v2  }
0xa0: {  	v24 =	vld [tilespmem:$0x1FE90];
	v3 =	vadd.f32 v40, v3;
	v30 =	vmul.f32 v16, v19;
	v40 =	vimm.s32 $0x2  }
0xa1: {  	v4 =	vadd.f32 v18, v4;
	v18 =	vperm.xlane v0, v40;
	v2 =	vadd.f32 v37, v2;
	v37 =	vld [tilespmem:$0x1FE80]  }
0xa2: {  	v1 =	vadd.f32 v50, v1;
	v39 =	vmul.f32 v16, v23  }
0xa3: {  	v3 =	vadd.f32 v30, v3;
	v30 =	vimm.s32 $0x3;
	v50 =	vmul.f32 v18, v63;
	v63 =	vld [tilespmem:$0xC0C4]  }
0xa4: {  	v41 =	vmul.f32 v61, v16;
	v1 =	vadd.f32 v39, v1;
	v39 =	vperm.xlane v0, v30;
	v30 =	vld [tilespmem:$0x1FEA0]  }
0xa5: {  	v8 =	vld [tilespmem:$0x1FEB0];
	v19 =	vimm.s32 $0x4;
	v28 =	vmul.f32 v18, v24  }
0xa6: {  	v40 =	vmul.f32 v62, v18;
	v4 =	vadd.f32 v41, v4;
	v51 =	vmul.f32 v18, v37;
	v18 =	vld [tilespmem:$0x1FEC0]  }
0xa7: {  	v19 =	vperm.xlane v0, v19;
	v3 =	vadd.f32 v50, v3  }
0xa8: {  	v4 =	vadd.f32 v40, v4;
	v41 =	vmul.f32 v39, v29;
	v29 =	vmul.f32 v63, v39  }
0xa9: {  	v1 =	vadd.f32 v28, v1;
	v28 =	vld [tilespmem:$0xC0C5];
	v2 =	vadd.f32 v51, v2;
	v50 =	vmul.f32 v39, v30  }
0xaa: {  	v4 =	vadd.f32 v29, v4;
	v29 =	vld [tilespmem:$0x1FED0]  }
0xab: {  	v51 =	vmul.f32 v39, v8;
	v2 =	vadd.f32 v50, v2;
	v16 =	vmul.f32 v19, v18  }
0xac: {  	v6 =	vmul.f32 v19, v17;
	v3 =	vadd.f32 v41, v3  }
0xad: {  	v1 =	vadd.f32 v51, v1;
	v51 =	vimm.s32 $0x5;
	v2 =	vadd.f32 v16, v2;
	v16 =	vld [tilespmem:$0x1FEE0]  }
0xae: {  	v41 =	vld [tilespmem:$0xC0C6];
	v39 =	vmul.f32 v28, v19;
	v17 =	vperm.xlane v0, v51;
	v51 =	vimm.s32 $0x6  }
0xaf: {  	v3 =	vadd.f32 v6, v3;
	v50 =	vmul.f32 v19, v29;
	v19 =	vperm.xlane v0, v51  }
0xb0: {  	v4 =	vadd.f32 v39, v4;
	v51 =	vimm.s32 $0x7;
	v40 =	vmul.f32 v17, v25;
	v25 =	vld [tilespmem:$0xC0C7]  }
0xb1: {  	v1 =	vadd.f32 v50, v1;
	v50 =	vmul.f32 v17, v49;
	v39 =	vmul.f32 v19, v14  }
0xb2: {  	[tilespmem:$0x1FF00] =	vst v15;
	v3 =	vadd.f32 v40, v3;
	v40 =	vmul.f32 v19, v48;
	v15 =	vmul.f32 v17, v16  }
0xb3: {  	[tilespmem:$0x1FF10] =	vst v28;
	v1 =	vadd.f32 v50, v1;
	v50 =	vmul.f32 v19, v42;
	v17 =	vmul.f32 v41, v17  }
0xb4: {  	v28 =	vmovc v49;
	v49 =	vld [tilespmem:$0xC0C8];
	v3 =	vadd.f32 v39, v3;
	v2 =	vadd.f32 v15, v2;
	v15 =	vperm.xlane v0, v51  }
0xb5: {  	v39 =	vmul.f32 v25, v19;
	v1 =	vadd.f32 v50, v1;
	v4 =	vadd.f32 v17, v4  }
0xb6: {  	v51 =	vld [tilespmem:$0xC0C9];
	v2 =	vadd.f32 v40, v2;
	v5 =	vmul.f32 v15, v13;
	v40 =	vmul.f32 v15, v53  }
0xb7: {  	[tilespmem:$0x1FF30] =	vst v25;
	v4 =	vadd.f32 v39, v4;
	v25 =	vmul.f32 v15, v10;
	v39 =	vimm.s32 $0x8  }
0xb8: {  	v13 =	vimm.s32 $0x9;
	v19 =	vperm.xlane v0, v39;
	v2 =	vadd.f32 v40, v2  }
0xb9: {  	v40 =	vmul.f32 v49, v15;
	v1 =	vadd.f32 v25, v1;
	v25 =	vperm.xlane v0, v13  }
0xba: {  	v6 =	vmov v53;
	v53 =	vmul.f32 v19, v58;
	v58 =	vmul.f32 v19, v54  }
0xbb: {  	[tilespmem:$0x1FF20] =	vst v48;
	v48 =	vmov v10;
	v50 =	vld [tilespmem:$0xC0CA];
	v10 =	vmul.f32 v19, v34;
	v39 =	vmul.f32 v51, v19  }
0xbc: {  	v19 =	vimm.s32 $0xB;
	v4 =	vadd.f32 v40, v4;
	v40 =	vmul.f32 v25, v59  }
0xbd: {  	v17 =	vmovc v54;
	v3 =	vadd.f32 v5, v3;
	v54 =	vmul.f32 v25, v31;
	v19 =	vperm.xlane v0, v19  }
0xbe: {  	v2 =	vadd.f32 v58, v2;
	v1 =	vadd.f32 v10, v1;
	v58 =	vld [tilespmem:$0xC0CB];
	v10 =	vimm.s32 $0xA  }
0xbf: {  	v3 =	vadd.f32 v53, v3;
	v53 =	vmul.f32 v25, v52;
	v59 =	vperm.xlane v0, v10  }
0xc0: {  	v4 =	vadd.f32 v39, v4;
	v39 =	vmul.f32 v50, v25;
	v1 =	vadd.f32 v54, v1;
	v54 =	vld [tilespmem:$0xC0CC]  }
0xc1: {  	v3 =	vadd.f32 v40, v3;
	v2 =	vadd.f32 v53, v2;
	v12 =	vmul.f32 v59, v12  }
0xc2: {  	v40 =	vmul.f32 v59, v11;
	v4 =	vadd.f32 v39, v4;
	v53 =	vmul.f32 v59, v33  }
0xc3: {  	v11 =	vmul.f32 v19, v45;
	v3 =	vadd.f32 v12, v3;
	v25 =	vmul.f32 v58, v59  }
0xc4: {  	v2 =	vadd.f32 v40, v2;
	v1 =	vadd.f32 v53, v1;
	v53 =	vmul.f32 v19, v9  }
0xc5: {  	v40 =	vld [tilespmem:$0xC0CD];
	v4 =	vadd.f32 v25, v4;
	v25 =	vimm.s32 $0xC;
	v39 =	vmul.f32 v54, v19  }
0xc6: {  	v3 =	vadd.f32 v11, v3;
	v25 =	vperm.xlane v0, v25  }
0xc7: {  	v59 =	vmul.f32 v19, v35;
	v2 =	vadd.f32 v53, v2;
	v4 =	vadd.f32 v39, v4  }
0xc8: {  	v39 =	vimm.s32 $0xD;
	v45 =	vmul.f32 v25, v44;
	v53 =	vmul.f32 v25, v55  }
0xc9: {  	v1 =	vadd.f32 v59, v1;
	v59 =	vld [tilespmem:$0xC0CE];
	v19 =	vmul.f32 v25, v46;
	v15 =	vperm.xlane v0, v39  }
0xca: {  	v44 =	vmul.f32 v40, v25;
	v3 =	vadd.f32 v45, v3  }
0xcb: {  	[tilespmem:$0x1FF50] =	vst v9;
	v39 =	vld [tilespmem:$0xC0CF];
	v10 =	vadd.f32 v53, v2;
	v1 =	vadd.f32 v19, v1;
	v9 =	vmul.f32 v15, v43  }
0xcc: {  	v45 =	vmul.f32 v15, v56;
	v4 =	vadd.f32 v44, v4;
	v53 =	vimm.s32 $0xE;
	v19 =	vld [tilespmem:$0x1FEF0]  }
0xcd: {  	[tilespmem:$0x1FF60] =	vst v56;
	v5 =	vmovc v46;
	v46 =	vmul.f32 v15, v7;
	v43 =	vimm.s32 $0xF;
	v56 =	vperm.xlane v0, v53  }
0xce: {  	v25 =	vmul.f32 v59, v15;
	v11 =	vperm.xlane v0, v43;
	v3 =	vadd.f32 v9, v3  }
0xcf: {  	v13 =	vadd.f32 v45, v10;
	v36 =	vmul.f32 v56, v36;
	v44 =	vmul.f32 v56, v57  }
0xd0: {  	v1 =	vadd.f32 v46, v1;
	v45 =	vmul.f32 v56, v26;
	v46 =	vmul.f32 v39, v56  }
0xd1: {  	[tilespmem:$0xC0E0] =	vst v47;
	v4 =	vadd.f32 v25, v4;
	v25 =	vmul.f32 v11, v47;
	v53 =	vperm.xlane v19, v21  }
0xd2: {  	[tilespmem:$0x1FF70] =	vst v26;
	v0 =	vld [tilespmem:$0xC0D1];
	v26 =	vmul.f32 v11, v20;
	v3 =	vadd.f32 v36, v3;
	v36 =	vimm.s32 $0x0  }
0xd3: {  	v32 =	vmul.f32 v11, v32;
	v9 =	vadd.f32 v44, v13;
	v43 =	vperm.xlane v53, v36  }
0xd4: {  	[tilespmem:$0x1FFA0] =	vst v47;
	v47 =	vimm.s32 $0x1;
	v1 =	vadd.f32 v45, v1;
	v4 =	vadd.f32 v46, v4;
	v36 =	vld [tilespmem:$0x1FF00]  }
0xd5: {  	v44 =	vadd.f32 v25, v3;
	v12 =	vperm.xlane v53, v47;
	v45 =	vmul.f32 v43, v38  }
0xd6: {  	v14 =	vmovc v55;
	v9 =	vadd.f32 v26, v9;
	v46 =	vmul.f32 v43, v22;
	v2 =	vmul.f32 v43, v60  }
0xd7: {  	v56 =	vmovc v21;
	v15 =	vmul.f32 v0, v43;
	v21 =	vmul.f32 v12, v23;
	v38 =	vmovc v23;
	v23 =	vimm.s32 $0x2  }
0xd8: {  	v55 =	vmovc v7;
	v1 =	vadd.f32 v32, v1;
	v13 =	vmul.f32 v12, v27;
	v27 =	vperm.xlane v53, v23  }
0xd9: {  	v3 =	vld [tilespmem:$0xC0D2];
	v32 =	vmovc v22;
	v22 =	vmul.f32 v12, v61;
	v7 =	vadd.f32 v45, v44;
	v11 =	vmul.f32 v11, v36  }
0xda: {  	v9 =	vadd.f32 v46, v9;
	v1 =	vadd.f32 v2, v1;
	v47 =	vmul.f32 v27, v37  }
0xdb: {  	v2 =	vmul.f32 v27, v24;
	v23 =	vmul.f32 v27, v62;
	v11 =	vadd.f32 v11, v4  }
0xdc: {  	v7 =	vadd.f32 v13, v7;
	v1 =	vadd.f32 v22, v1;
	v22 =	vimm.s32 $0x3;
	v4 =	vld [tilespmem:$0xC0D3]  }
0xdd: {  	v9 =	vadd.f32 v21, v9;
	v21 =	vld [tilespmem:$0xC0D4];
	v11 =	vadd.f32 v15, v11;
	v15 =	vperm.xlane v53, v22  }
0xde: {  	v12 =	vmul.f32 v3, v12;
	v7 =	vadd.f32 v47, v7  }
0xdf: {  	v43 =	vld [tilespmem:$0xC0D5];
	v9 =	vadd.f32 v2, v9;
	v1 =	vadd.f32 v23, v1;
	v30 =	vmul.f32 v15, v30  }
0xe0: {  	v45 =	vld [tilespmem:$0x1FF10];
	v23 =	vimm.s32 $0x4;
	v37 =	vmul.f32 v15, v8;
	v22 =	vmul.f32 v15, v63  }
0xe1: {  	v11 =	vadd.f32 v12, v11;
	v19 =	vmul.f32 v4, v27;
	v27 =	vperm.xlane v53, v23  }
0xe2: {  	v7 =	vadd.f32 v30, v7;
	v30 =	vmul.f32 v21, v15;
	v9 =	vadd.f32 v37, v9  }
0xe3: {  	v1 =	vadd.f32 v22, v1;
	v22 =	vimm.s32 $0x5;
	v37 =	vmul.f32 v27, v18  }
0xe4: {  	v44 =	vld [tilespmem:$0xC0D6];
	v11 =	vadd.f32 v19, v11;
	v2 =	vmul.f32 v27, v29;
	v15 =	vperm.xlane v53, v22  }
0xe5: {  	v23 =	vmul.f32 v27, v45;
	v19 =	vmul.f32 v43, v27  }
0xe6: {  	v13 =	vld [tilespmem:$0xC0D7];
	v11 =	vadd.f32 v30, v11;
	v7 =	vadd.f32 v37, v7;
	v30 =	vmul.f32 v15, v16  }
0xe7: {  	v9 =	vadd.f32 v2, v9;
	v37 =	vmul.f32 v15, v28;
	v1 =	vadd.f32 v23, v1;
	v16 =	vld [tilespmem:$0x1FF30]  }
0xe8: {  	v22 =	vmul.f32 v15, v41;
	v23 =	vimm.s32 $0x6;
	v7 =	vadd.f32 v30, v7;
	v30 =	vld [tilespmem:$0x1FF20]  }
0xe9: {  	v46 =	vld [tilespmem:$0xC0D8];
	v18 =	vmov v28;
	v28 =	vmul.f32 v44, v15;
	v27 =	vperm.xlane v53, v23  }
0xea: {  	v11 =	vadd.f32 v19, v11;
	v9 =	vadd.f32 v37, v9;
	v19 =	vimm.s32 $0x7  }
0xeb: {  	v1 =	vadd.f32 v22, v1;
	v2 =	vmul.f32 v27, v42;
	v15 =	vperm.xlane v53, v19  }
0xec: {  	v23 =	vmul.f32 v13, v27;
	v11 =	vadd.f32 v28, v11;
	v22 =	vmul.f32 v27, v16  }
0xed: {  	v9 =	vadd.f32 v2, v9;
	v28 =	vmul.f32 v15, v6;
	v37 =	vmul.f32 v27, v30  }
0xee: {  	v2 =	vimm.s32 $0x8;
	v19 =	vmul.f32 v46, v15;
	v30 =	vmul.f32 v15, v48  }
0xef: {  	v11 =	vadd.f32 v23, v11;
	v7 =	vadd.f32 v37, v7;
	v37 =	vmul.f32 v15, v49  }
0xf0: {  	v25 =	vld [tilespmem:$0x1FF40];
	v6 =	vmovc v49;
	v49 =	vperm.xlane v53, v2;
	v9 =	vadd.f32 v30, v9;
	v30 =	vimm.s32 $0x9  }
0xf1: {  	v47 =	vld [tilespmem:$0xC0D9];
	v1 =	vadd.f32 v22, v1;
	v15 =	vperm.xlane v53, v30;
	v7 =	vadd.f32 v28, v7  }
0xf2: {  	v23 =	vld [tilespmem:$0xC0DA];
	v27 =	vmul.f32 v49, v17;
	v28 =	vmul.f32 v49, v34;
	v17 =	vimm.s32 $0xA  }
0xf3: {  	v2 =	vmovc v51;
	v1 =	vadd.f32 v37, v1;
	v37 =	vmul.f32 v49, v51;
	v51 =	vperm.xlane v53, v17  }
0xf4: {  	v7 =	vadd.f32 v27, v7;
	v9 =	vadd.f32 v28, v9;
	v28 =	vmul.f32 v15, v52;
	_ =	sdelay $0x1  }
0xf5: {  	v22 =	vmul.f32 v47, v49;
	v49 =	vld [tilespmem:$0xC0DB];
	v27 =	vmul.f32 v51, v25;
	v7 =	vadd.f32 v28, v7  }
0xf6: {  	v11 =	vadd.f32 v19, v11;
	v30 =	vmul.f32 v15, v31;
	v19 =	vmul.f32 v23, v15  }
0xf7: {  	v1 =	vadd.f32 v37, v1;
	v37 =	vmul.f32 v15, v50;
	v7 =	vadd.f32 v27, v7;
	v27 =	vld [tilespmem:$0x1FF50]  }
0xf8: {  	v11 =	vadd.f32 v22, v11;
	v22 =	vld [tilespmem:$0xC0DC];
	v9 =	vadd.f32 v30, v9;
	v30 =	vimm.s32 $0xB  }
0xf9: {  	v1 =	vadd.f32 v37, v1;
	v37 =	vmul.f32 v51, v58;
	v15 =	vperm.xlane v53, v30  }
0xfa: {  	v11 =	vadd.f32 v19, v11;
	v28 =	vmul.f32 v51, v33;
	v19 =	vmul.f32 v49, v51  }
0xfb: {  	v17 =	vmovc v54;
	v1 =	vadd.f32 v37, v1;
	v37 =	vmul.f32 v15, v54;
	v54 =	vimm.s32 $0xC  }
0xfc: {  	v9 =	vadd.f32 v28, v9;
	v51 =	vperm.xlane v53, v54;
	v28 =	vmul.f32 v15, v27  }
0xfd: {  	v30 =	vmul.f32 v15, v35;
	v11 =	vadd.f32 v19, v11;
	v19 =	vmul.f32 v22, v15;
	v27 =	vld [tilespmem:$0x1FF60]  }
0xfe: {  	v52 =	vld [tilespmem:$0xC0DD];
	v10 =	vadd.f32 v37, v1;
	v37 =	vmul.f32 v51, v14;
	v7 =	vadd.f32 v28, v7  }
0xff: {  	v9 =	vadd.f32 v30, v9;
	v11 =	vadd.f32 v19, v11;
	v30 =	vimm.s32 $0xD  }
0x100: {  	v19 =	vperm.xlane v53, v30;
	v7 =	vadd.f32 v37, v7;
	v37 =	vmul.f32 v51, v40  }
0x101: {  	v54 =	vmul.f32 v51, v5;
	v28 =	vld [tilespmem:$0xC0DE]  }
0x102: {  	v30 =	vmul.f32 v19, v27;
	v27 =	vmul.f32 v19, v59;
	v10 =	vadd.f32 v37, v10  }
0x103: {  	v25 =	vmul.f32 v52, v51;
	v51 =	vld [tilespmem:$0xC0DF]  }
0x104: {  	v9 =	vadd.f32 v54, v9;
	v10 =	vadd.f32 v27, v10;
	v27 =	vld [tilespmem:$0x1FF70]  }
0x105: {  	v26 =	vmovc v8;
	v8 =	vld [tilespmem:$0x1FF80];
	v54 =	vmul.f32 v19, v55;
	v11 =	vadd.f32 v25, v11;
	v37 =	vimm.s32 $0xE  }
0x106: {  	v1 =	vmovc v55;
	v55 =	vperm.xlane v53, v37;
	v7 =	vadd.f32 v30, v7;
	v30 =	vmul.f32 v28, v19  }
0x107: {  	v9 =	vadd.f32 v54, v9  }
0x108: {  	v14 =	vld [tilespmem:$0x1FF90];
	v54 =	vmul.f32 v55, v57;
	v11 =	vadd.f32 v30, v11;
	v15 =	vmul.f32 v55, v39  }
0x109: {  	v30 =	vimm.s32 $0xF;
	v25 =	vmul.f32 v51, v55;
	v57 =	vmul.f32 v55, v27  }
0x10a: {  	v19 =	vperm.xlane v8, v56;
	v12 =	vperm.xlane v53, v30;
	v7 =	vadd.f32 v54, v7  }
0x10b: {  	v10 =	vadd.f32 v15, v10;
	v15 =	vimm.s32 $0x0;
	v11 =	vadd.f32 v25, v11  }
0x10c: {  	[tilespmem:$0xC0F0] =	vst v20;
	v25 =	vimm.s32 $0x2;
	v53 =	vmul.f32 v12, v20;
	v15 =	vperm.xlane v19, v15  }
0x10d: {  	v56 =	vmul.f32 v12, v36;
	v9 =	vadd.f32 v57, v9;
	v57 =	vmovc v20;
	v20 =	vmul.f32 v12, v14  }
0x10e: {  	v25 =	vperm.xlane v19, v25;
	v7 =	vadd.f32 v53, v7;
	v53 =	vmul.f32 v15, v32  }
0x10f: {  	v32 =	vmul.f32 v15, v60;
	v60 =	vimm.s32 $0x1;
	v9 =	vadd.f32 v20, v9;
	v20 =	vld [tilespmem:$0x1FFA0]  }
0x110: {  	v10 =	vadd.f32 v56, v10;
	v0 =	vmul.f32 v15, v0;
	v54 =	vperm.xlane v19, v60  }
0x111: {  	v55 =	vld [tilespmem:$0xC0E1];
	v4 =	vmul.f32 v25, v4;
	v7 =	vadd.f32 v53, v7  }
0x112: {  	v0 =	vadd.f32 v0, v10;
	v60 =	vmul.f32 v54, v38;
	v3 =	vmul.f32 v54, v3  }
0x113: {  	v56 =	vld [tilespmem:$0xC0E2];
	v61 =	vmul.f32 v54, v61;
	v38 =	vmul.f32 v25, v24;
	v9 =	vadd.f32 v32, v9  }
0x114: {  	v53 =	vld [tilespmem:$0xC0E3];
	v7 =	vadd.f32 v60, v7;
	v0 =	vadd.f32 v3, v0;
	v12 =	vmul.f32 v12, v20  }
0x115: {  	v60 =	vmul.f32 v25, v62;
	v62 =	vld [tilespmem:$0xC0E4];
	v9 =	vadd.f32 v61, v9;
	v61 =	vimm.s32 $0x3  }
0x116: {  	v32 =	vmul.f32 v55, v15;
	v15 =	vperm.xlane v19, v61;
	v11 =	vadd.f32 v12, v11  }
0x117: {  	v7 =	vadd.f32 v38, v7;
	v55 =	vimm.s32 $0x4;
	v3 =	vadd.f32 v60, v9  }
0x118: {  	v60 =	vld [tilespmem:$0xC0E5];
	v38 =	vmul.f32 v15, v26;
	v11 =	vadd.f32 v32, v11;
	v32 =	vmul.f32 v56, v54  }
0x119: {  	v0 =	vadd.f32 v4, v0;
	v61 =	vmul.f32 v15, v21;
	v56 =	vperm.xlane v19, v55  }
0x11a: {  	v62 =	vmul.f32 v62, v15;
	v10 =	vadd.f32 v32, v11;
	v32 =	vmul.f32 v53, v25  }
0x11b: {  	v7 =	vadd.f32 v38, v7;
	v53 =	vmul.f32 v15, v63;
	v63 =	vmul.f32 v56, v29  }
0x11c: {  	v21 =	vld [tilespmem:$0xC0E6];
	v8 =	vmul.f32 v56, v45;
	v15 =	vimm.s32 $0x5;
	v24 =	vmul.f32 v56, v43  }
0x11d: {  	v25 =	vmul.f32 v60, v56;
	v9 =	vadd.f32 v32, v10;
	v3 =	vadd.f32 v53, v3  }
0x11e: {  	v38 =	vld [tilespmem:$0xC0E7];
	v10 =	vperm.xlane v19, v15;
	v32 =	vimm.s32 $0x6;
	v53 =	vimm.s32 $0x7  }
0x11f: {  	v0 =	vadd.f32 v61, v0;
	v12 =	vperm.xlane v19, v32;
	v11 =	vperm.xlane v19, v53  }
0x120: {  	v7 =	vadd.f32 v63, v7;
	v26 =	vmul.f32 v10, v18;
	v29 =	vmul.f32 v10, v41  }
0x121: {  	v0 =	vadd.f32 v24, v0;
	v41 =	vmul.f32 v10, v44;
	v43 =	vmul.f32 v21, v10  }
0x122: {  	v54 =	vld [tilespmem:$0xC0E8];
	v15 =	vimm.s32 $0xC;
	v44 =	vmul.f32 v12, v42;
	v45 =	vmul.f32 v12, v16  }
0x123: {  	v4 =	vadd.f32 v62, v9;
	v55 =	vmul.f32 v12, v13;
	v56 =	vmul.f32 v38, v12  }
0x124: {  	v62 =	vimm.s32 $0x8;
	v60 =	vmul.f32 v11, v48;
	v61 =	vmul.f32 v11, v6  }
0x125: {  	v3 =	vadd.f32 v8, v3;
	v63 =	vperm.xlane v19, v62;
	v24 =	vmul.f32 v11, v46  }
0x126: {  	v21 =	vld [tilespmem:$0xC0E9];
	v16 =	vperm.xlane v19, v15;
	v4 =	vadd.f32 v25, v4;
	v7 =	vadd.f32 v26, v7  }
0x127: {  	v3 =	vadd.f32 v29, v3;
	v0 =	vadd.f32 v41, v0;
	v25 =	vmul.f32 v54, v11  }
0x128: {  	v29 =	vimm.s32 $0x9;
	v54 =	vimm.s32 $0xB;
	v26 =	vmul.f32 v63, v34  }
0x129: {  	v6 =	vmul.f32 v63, v2;
	v32 =	vperm.xlane v19, v29;
	v4 =	vadd.f32 v43, v4  }
0x12a: {  	v38 =	vmul.f32 v63, v47;
	v7 =	vadd.f32 v44, v7;
	v3 =	vadd.f32 v45, v3  }
0x12b: {  	v0 =	vadd.f32 v55, v0;
	v55 =	vperm.xlane v19, v54;
	v41 =	vmul.f32 v21, v63  }
0x12c: {  	v44 =	vimm.s32 $0xA;
	v42 =	vmul.f32 v32, v31;
	v43 =	vmul.f32 v32, v50  }
0x12d: {  	v46 =	vld [tilespmem:$0xC0EB];
	v45 =	vperm.xlane v19, v44;
	v48 =	vmul.f32 v32, v23  }
0x12e: {  	v34 =	vld [tilespmem:$0xC0EA];
	v21 =	vmul.f32 v16, v5;
	v3 =	vadd.f32 v61, v3;
	v61 =	vmul.f32 v55, v35  }
0x12f: {  	v62 =	vld [tilespmem:$0xC0ED];
	v23 =	vimm.s32 $0xD;
	v63 =	vmul.f32 v55, v17;
	v17 =	vmul.f32 v55, v22  }
0x130: {  	v0 =	vadd.f32 v24, v0;
	v22 =	vmul.f32 v16, v40;
	v24 =	vperm.xlane v19, v23  }
0x131: {  	v7 =	vadd.f32 v60, v7;
	v50 =	vmul.f32 v45, v33;
	v53 =	vmul.f32 v45, v58  }
0x132: {  	v4 =	vadd.f32 v56, v4;
	v58 =	vmul.f32 v45, v49;
	v60 =	vmul.f32 v46, v45  }
0x133: {  	v7 =	vadd.f32 v26, v7;
	v3 =	vadd.f32 v6, v3;
	v8 =	vmul.f32 v34, v32  }
0x134: {  	v4 =	vadd.f32 v25, v4;
	v25 =	vmul.f32 v16, v52;
	v26 =	vmul.f32 v62, v16  }
0x135: {  	v31 =	vmul.f32 v24, v1;
	v47 =	vadd.f32 v42, v7;
	v3 =	vadd.f32 v43, v3  }
0x136: {  	v29 =	vld [tilespmem:$0xC0EE];
	v0 =	vadd.f32 v38, v0;
	v32 =	vperm.xlane v19, v37;
	v33 =	vmul.f32 v24, v59  }
0x137: {  	v56 =	vld [tilespmem:$0xC0EC];
	v37 =	vperm.xlane v19, v30;
	v6 =	vadd.f32 v50, v47;
	v3 =	vadd.f32 v53, v3  }
0x138: {  	v4 =	vadd.f32 v41, v4;
	v0 =	vadd.f32 v48, v0;
	v34 =	vmul.f32 v32, v27  }
0x139: {  	v38 =	vmul.f32 v32, v39;
	v6 =	vadd.f32 v61, v6;
	v3 =	vadd.f32 v63, v3  }
0x13a: {  	v39 =	vmul.f32 v24, v28;
	v4 =	vadd.f32 v8, v4;
	v0 =	vadd.f32 v58, v0  }
0x13b: {  	v7 =	vmul.f32 v29, v24;
	v6 =	vadd.f32 v21, v6;
	v3 =	vadd.f32 v22, v3  }
0x13c: {  	v35 =	vld [tilespmem:$0xC0EF];
	v18 =	vmul.f32 v56, v55;
	v4 =	vadd.f32 v60, v4;
	v0 =	vadd.f32 v17, v0  }
0x13d: {  	v46 =	vld [tilespmem:$0x1FFB0];
	v40 =	vmul.f32 v37, v14;
	v6 =	vadd.f32 v31, v6;
	v3 =	vadd.f32 v33, v3  }
0x13e: {  	v41 =	vmul.f32 v37, v36;
	v47 =	vld [tilespmem:$0x1FFC0];
	v4 =	vadd.f32 v18, v4;
	v0 =	vadd.f32 v25, v0  }
0x13f: {  	v49 =	vld [tilespmem:$0x1FFE0];
	v43 =	vmul.f32 v32, v51;
	v6 =	vadd.f32 v34, v6;
	v2 =	vadd.f32 v38, v3  }
0x140: {  	v45 =	vmul.f32 v37, v20;
	v48 =	vld [tilespmem:$0x1FFD0];
	v4 =	vadd.f32 v26, v4;
	v0 =	vadd.f32 v39, v0  }
0x141: {  	v5 =	vmul.f32 v37, v57;
	v51 =	vld [tilespmem:$0x1FFF0];
	v3 =	vadd.f32 v40, v6;
	v2 =	vadd.f32 v41, v2  }
0x142: {  	v44 =	vmul.f32 v35, v32;
	v42 =	vadd.f32 v7, v4;
	v0 =	vadd.f32 v43, v0  }
0x143: {  	v52 =	vimm.s32 $0x76543210;
	v3 =	vmul.f32 v3, v46;
	v2 =	vmul.f32 v2, v47  }
0x144: {  	v50 =	vimm.s32 $0xFEDCBA98;
	v1 =	vadd.f32 v44, v42;
	v0 =	vadd.f32 v45, v0  }
0x145: {  	v4 =	vunpack.c.l.s4.s8 v52;
	v2 =	vadd.f32 v2, v3;
	v3 =	vunpack.c.l.s4.s8 v50  }
0x146: {  	v6 =	vadd.f32 v49, v48;
	v1 =	vadd.f32 v5, v1;
	v0 =	vmul.f32 v0, v51  }
0x147: {  	v57 =	vimm.s32 $0xBA987654;
	v56 =	vimm.s32 $0x3210FEDC;
	v53 =	vunpack.c.0.s8.s32 v3  }
0x148: {  	v54 =	vunpack.c.0.s8.s32 v4;
	v1 =	vmul.f32 v1, v6;
	v0 =	vadd.f32 v2, v0  }
0x149: {  	v2 =	vunpack.c.l.s4.s8 v56;
	v3 =	vunpack.c.l.s4.s8 v57;
	v55 =	vand.u32 $0xF, v53  }
0x14a: {  	v0 =	vadd.f32 v0, v1;
	v1 =	vcombine.low v55, v54  }
0x14b: {  	v2 =	vunpack.c.0.s8.s32 v2;
	v3 =	vunpack.c.0.s8.s32 v3  }
0x14c: {  	v1 =	vperm.xlane v0, v1  }
0x14d: {  	v59 =	vimm.s32 $0x10FEDCBA;
	v60 =	vimm.s32 $0x98765432;
	v58 =	vcombine.low v3, v2  }
0x14e: {  	v2 =	vunpack.c.l.s4.s8 v59;
	v3 =	vunpack.c.l.s4.s8 v60;
	v0 =	vadd.f32 v0, v1  }
0x14f: {  	v62 =	vimm.s32 $0x87654321  }
0x150: {  	v2 =	vunpack.c.0.s8.s32 v2;
	v3 =	vunpack.c.0.s8.s32 v3;
	v1 =	vperm.xlane v0, v58  }
0x151: {  	v61 =	vimm.s32 $0xFEDCBA9;
	v63 =	vunpack.c.l.s4.s8 v62  }
0x152: {  	v2 =	vcombine.low v3, v2;
	v0 =	vadd.f32 v0, v1;
	v1 =	vunpack.c.l.s4.s8 v61;
	_ =	sdelay $0x1  }
0x153: {  	v3 =	vunpack.c.0.s8.s32 v63;
	v2 =	vperm.xlane v0, v2;
	v1 =	vunpack.c.0.s8.s32 v1;
	_ =	sdelay $0x1  }
0x154: {  	v0 =	vadd.f32 v0, v2;
	v1 =	vcombine.low v3, v1;
	_ =	sdelay $0x1  }
0x155: {  	v1 =	vperm.xlane v0, v1;
	_ =	sdelay $0x1  }
0x156: {  	v0 =	vadd.f32 v0, v1;
	_ =	sdelay $0x1  }
0x157: {  	v0 =	vmul.f32 $-1.562500000e-02, v0;
	_ =	sdelay $0x1  }
0x158: {  	v0 =	vadd.f32 $0.0e+00, v0;
	_ =	sdelay $0x1  }
0x159: {  	v0 =	vmul.f32 $1.442695020e+00, v0;
	_ =	sdelay $0x1  }
0x15a: {  	(erf) = vpow2.f32 v0;
	_ =	sdelay $0x8  }
0x15b: {  	v0 =	vpop (erf)  }
0x15c: {  	v0 =	vadd.f32 $1.000000000e+00, v0;
	_ =	sdelay $0x1  }
0x15d: {  	(erf) = vrcp.f32 v0;
	_ =	sdelay $0x8  }
0x15e: {  	v0 =	vpop (erf)  }
0x15f: {  	s31 =	simm.s32 $0x2;
	s30 =	simm.s32 $0xC100;
	[tilespmem:$0xC100] =	vst v0  }
0x160: {  	[hbm4b:s1+s2] =	stream.linear.scatter [tilespmem:s30], [sflag:$0x2], $0x80, $0x38;
	[tilespmem:$0xC180] =	vst v63  }
0x161: {  	_ =	swait.ge [sflag:s31], $0x80  }
0x162: {  	[sflag:s31] =	ssyncset.done $0x0  }
0x163: {  	[sflag:s31] =	ssyncadd.s32 $0xFFFFFF80  }
.LBB2_2:
0x164: {  	_ =	sfence.sel $0x180000  }
0x165: {  	[bflag:$0x0] =	sbarrier.arrive $0xFFFF  }
0x166: {  	_ =	strace $0x90000047  }
0x167: {  	s0 =	sadd.s32 @!p0 $0x100000, s0;
	[bflag:$0x2] =	sbarrier.arrive $0xFFFF  }
0x168: {  	[sflag:s0] =	ssyncadd.tile.s32 @!p0 $0x1;
	_ =	shalt  }
.Lfunc_end2:
_tile_overlayer_lowered:
.L_overlay_start_2:
0x169: {  	(tag) =	ssettag $0x2  }
0x16a: {  	s0 =	rddreg [dreg:$0x0];
	s2 =	stileid.u32  }
0x16b: {  	s1 =	rddreg [dreg:$0x1];
	p0 =	sne.s32 s2, $0x0  }
0x16c: {  	s3 =	rddreg [dreg:$0x2];
	[bflag:$0x3] =	sbarrier.arrive $0xFFFF;
	s2 =	simm.s32 @!p0 $0x1C02  }
0x16d: {  	[timem:s3], [sflag:s2] =	dma.local @!p0 [hbm:s0], s1  }
0x16e: {  	s0 =	simm.s32 @!p0 $0x2  }
0x16f: {  	_ =	swait.ge @!p0 [sflag:s0], s1  }
0x170: {  	s1 =	ssub.s32 @!p0 $0x0, s1;
	[sflag:s0] =	ssyncset.done @!p0 $0x0  }
0x171: {  	[sflag:s0] =	ssyncadd.s32 @!p0 s1  }
0x172: {  	[bflag:$0x3] =	sbarrier.arrive $0xFFFF  }
0x173: {  	_ =	shalt  }

</sc_bundles>
